<compile_context>
chip_gen: v7x
topology: tpu7x:2x2x1
jax: 0.10.2.dev20260603
libtpu: 0.0.44.dev20260713+nightly
codegen_flags: <defaults>
</compile_context>

<pallas_src>
import jax
import jax.numpy as jnp
from jax import lax
from jax.experimental import pallas as pl
from jax.experimental.pallas import tpu as pltpu
from jax.experimental.pallas import tpu_sc as plsc

VOCAB = 100000
MAX_LEN = 200
EMB = 128
BATCH = 4096
SEQ = 200

NUM_WORKERS = 32
TOK_PER_W = BATCH * SEQ // NUM_WORKERS
CHUNK = 80
N = TOK_PER_W // CHUNK
NBUF = 5
NVAR = 5
SKEW = 3


def _pos_plan(v):
    s = (CHUNK * v) % MAX_LEN
    if s + CHUNK <= MAX_LEN:
        return [(s, 0, CHUNK)]
    n1 = MAX_LEN - s
    return [(s, 0, n1), (0, n1, CHUNK - n1)]


_mesh = plsc.VectorSubcoreMesh(core_axis_name="c", subcore_axis_name="s")

_scratch = (
    [pltpu.VMEM_SHARED((MAX_LEN, EMB), jnp.float32)]
    + [pltpu.VMEM((N, CHUNK), jnp.int32)]
    + [pltpu.VMEM((CHUNK, EMB), jnp.float32) for _ in range(NBUF)]
    + [pltpu.SemaphoreType.DMA for _ in range(3 * NBUF)]
)


@jax.jit
def _embed_call(x2d, wt, pos):
    @pl.kernel(
        out_type=jax.ShapeDtypeStruct((BATCH * SEQ, EMB), jnp.float32),
        mesh=_mesh,
        scratch_types=_scratch,
    )
    def _embed(x_hbm, wt_hbm, pos_hbm, out_hbm, pos_sh, idx2d, *scr):
        bufs = scr[0:NBUF]
        sem_init = scr[NBUF:2 * NBUF]
        sem_g = scr[2 * NBUF:3 * NBUF]
        sem_wb = scr[3 * NBUF:4 * NBUF]

        sid = lax.axis_index("s")
        wid = sid * 2 + lax.axis_index("c")
        base = wid * TOK_PER_W

        @pl.when(sid == 0)
        def _load_pos():
            pltpu.sync_copy(pos_hbm, pos_sh)

        plsc.subcore_barrier()

        pltpu.sync_copy(x_hbm.at[pl.ds(wid * N, N)], idx2d)

        def init_descs(v, b):
            return [
                pltpu.make_async_copy(
                    pos_sh.at[pl.ds(po, n)],
                    bufs[b].at[pl.ds(bo, n)],
                    sem_init[b])
                for po, bo, n in _pos_plan(v)
            ]

        def d_gat(g, b):
            return [pltpu.make_async_copy(
                wt_hbm.at[idx2d.at[g]], bufs[b], sem_g[b])]

        def d_wb(g, b):
            return pltpu.make_async_copy(
                bufs[b], out_hbm.at[pl.ds(base + g * CHUNK, CHUNK)],
                sem_wb[b])

        def issue_pre(v, b):
            for d in init_descs(v, b):
                d.start()

        def issue_gather(g, v, b):
            for d in init_descs(v, b):
                d.wait()
            for d in d_gat(g, b):
                d.start(add=True)

        def issue_wb(g, b):
            for d in d_gat(g, b):
                d.wait()
            d_wb(g, b).start()

        def body(i, phase, drain):
            b0 = phase % NBUF
            b3 = (phase + SKEW) % NBUF
            v3 = (phase + SKEW) % NVAR
            if drain:
                d_wb(i - (NBUF - SKEW), b3).wait()
            issue_pre(v3, b3)
            issue_wb(i, b0)
            issue_gather(i + SKEW, v3, b3)

        for g in range(SKEW):
            issue_pre(g, g)
            issue_gather(g, g, g)
        for i in range(NBUF - SKEW):
            body(i, i, drain=False)

        steady_lo = NBUF - SKEW
        steady_hi = steady_lo + ((N - SKEW - steady_lo) // NVAR) * NVAR

        @pl.loop(steady_lo, steady_hi, step=NVAR)
        def _steady(i0):
            for db in range(NVAR):
                body(i0 + db, steady_lo + db, drain=True)

        for i in range(steady_hi, N - SKEW):
            body(i, i, drain=True)

        for g in range(N - SKEW, N):
            issue_wb(g, g % NBUF)
        for g in range(N - NBUF, N):
            d_wb(g, g % NBUF).wait()

    return _embed(x2d, wt, pos)


def kernel(X, word_table, pos_table):
    out = _embed_call(X.reshape(-1, CHUNK), word_table, pos_table)
    return out.reshape(BATCH, SEQ, EMB)

# --- scband reference (transcript-rebuilt; emitter-appended) ---
"""Pipeline reference for scband-transformer-embedding-45681272160756 (READ-ONLY COPY).

The authoritative reference and input builder live on the scoring server;
editing this copy changes nothing except your own understanding.
"""

import jax, jax.numpy as jnp
import numpy as np

VOCAB = 100000
MAX_LEN = 200
EMB = 128
BATCH = 4096
SEQ = 200

def _sin_cos_enc(max_length, embedding_size):
    position_enc = np.array([[pos / np.power(10000, 2 * i / embedding_size) for i in range(embedding_size)] for pos in range(max_length)], dtype=np.float32)
    position_enc[:, 0::2] = np.sin(position_enc[:, 0::2])
    position_enc[:, 1::2] = np.cos(position_enc[:, 1::2])
    return jnp.asarray(position_enc)

def setup_inputs(seed: int = 0) -> dict:
    key = jax.random.key(seed)
    k1, k2 = jax.random.split(key)
    X = jax.random.randint(k1, (BATCH, SEQ), 0, VOCAB, dtype=jnp.int64 if jax.config.jax_enable_x64 else jnp.int32).astype(jnp.int32)
    word_table = jax.random.normal(k2, (VOCAB, EMB), dtype=jnp.float32) * 0.02
    pos_table = _sin_cos_enc(MAX_LEN, EMB)
    return {"X": X, "word_table": word_table, "pos_table": pos_table}

def reference(X, word_table, pos_table):
    # word embedding lookup
    word_embedding = jnp.take(word_table, X, axis=0)  # [B, T, E]
    # positional embedding: pos = arange(T) expanded to X.shape, then lookup
    T = X.shape[1]
    pos = jnp.broadcast_to(jnp.arange(T, dtype=jnp.int32), X.shape)  # [B, T]
    pos_embedding = jnp.take(pos_table, pos, axis=0)  # [B, T, E]
    return word_embedding + pos_embedding

if __name__ == "__main__":
    import jax
    _d = setup_inputs()
    print(jax.jit(kernel)(*tuple(_d.values())))

</pallas_src>

<mosaic_0001>
#map = affine_map<(d0, d1) -> (0, 0)>
module attributes {stable_mosaic.version = 14 : i64} {
  func.func @_embed(%arg0: i32, %arg1: i32, %arg2: memref<10240x80xi32, #tpu.memory_space<hbm>>, %arg3: memref<100000x128xf32, #tpu.memory_space<hbm>>, %arg4: memref<200x128xf32, #tpu.memory_space<hbm>>, %arg5: memref<819200x128xf32, #tpu.memory_space<hbm>>, %arg6: memref<200x128xf32, #tpu.memory_space<vmem_shared>>, %arg7: memref<320x80xi32, #tpu.memory_space<vmem>>, %arg8: memref<80x128xf32, #tpu.memory_space<vmem>>, %arg9: memref<80x128xf32, #tpu.memory_space<vmem>>, %arg10: memref<80x128xf32, #tpu.memory_space<vmem>>, %arg11: memref<80x128xf32, #tpu.memory_space<vmem>>, %arg12: memref<80x128xf32, #tpu.memory_space<vmem>>, %arg13: memref<!tpu.dma_semaphore, #tpu.memory_space<semaphore_mem>>, %arg14: memref<!tpu.dma_semaphore, #tpu.memory_space<semaphore_mem>>, %arg15: memref<!tpu.dma_semaphore, #tpu.memory_space<semaphore_mem>>, %arg16: memref<!tpu.dma_semaphore, #tpu.memory_space<semaphore_mem>>, %arg17: memref<!tpu.dma_semaphore, #tpu.memory_space<semaphore_mem>>, %arg18: memref<!tpu.dma_semaphore, #tpu.memory_space<semaphore_mem>>, %arg19: memref<!tpu.dma_semaphore, #tpu.memory_space<semaphore_mem>>, %arg20: memref<!tpu.dma_semaphore, #tpu.memory_space<semaphore_mem>>, %arg21: memref<!tpu.dma_semaphore, #tpu.memory_space<semaphore_mem>>, %arg22: memref<!tpu.dma_semaphore, #tpu.memory_space<semaphore_mem>>, %arg23: memref<!tpu.dma_semaphore, #tpu.memory_space<semaphore_mem>>, %arg24: memref<!tpu.dma_semaphore, #tpu.memory_space<semaphore_mem>>, %arg25: memref<!tpu.dma_semaphore, #tpu.memory_space<semaphore_mem>>, %arg26: memref<!tpu.dma_semaphore, #tpu.memory_space<semaphore_mem>>, %arg27: memref<!tpu.dma_semaphore, #tpu.memory_space<semaphore_mem>>) attributes {dimension_semantics = [#tpu.dimension_semantics<core_parallel>, #tpu.dimension_semantics<subcore_parallel>], iteration_bounds = array<i64: 2, 16>, scalar_prefetch = 0 : i64, scratch_operands = 22 : i64, tpu.core_type = #tpu.core_type<sc_vector_subcore>, window_params = [{transform_indices = #map}, {transform_indices = #map}, {transform_indices = #map}, {transform_indices = #map}]} {
    %mul3A = arith.constant 2 : i32
    %mul3A_0 = arith.muli %arg1, %mul3A : i32
    %add3A = arith.addi %mul3A_0, %arg0 : i32
    %mul3A_1 = arith.constant 25600 : i32
    %mul3A_2 = arith.muli %add3A, %mul3A_1 : i32
    %eq3A = arith.constant 0 : i32
    %eq3A_3 = arith.cmpi eq, %arg1, %eq3A : i32
    %convert_element_type3A = arith.extui %eq3A_3 : i1 to i32
    %cond3A = arith.constant 0 : i32
    %cond3A_4 = arith.cmpi ne, %convert_element_type3A, %cond3A : i32
    scf.if %cond3A_4 {
      "tpu.region"() ({
        %run_scoped3A = tpu.sem_alloc : memref<!tpu.dma_semaphore, #tpu.memory_space<semaphore_mem>>
        tpu.enqueue_dma source(%arg4 : memref<200x128xf32, #tpu.memory_space<hbm>>) target(%arg6 : memref<200x128xf32, #tpu.memory_space<vmem_shared>>) target_semaphore(%run_scoped3A : memref<!tpu.dma_semaphore, #tpu.memory_space<semaphore_mem>>)
        tpu.wait_dma2 semaphore(%run_scoped3A : memref<!tpu.dma_semaphore, #tpu.memory_space<semaphore_mem>>) src(%arg4 : memref<200x128xf32, #tpu.memory_space<hbm>>) dst(%arg6 : memref<200x128xf32, #tpu.memory_space<vmem_shared>>)
        tpu.yield
      }) : () -> ()
    } else {
    }
    %barrier3A = arith.constant 0 : index
    tpu.barrier barrier_id(%barrier3A)
    %mul3A_5 = arith.constant 320 : i32
    %mul3A_6 = arith.muli %add3A, %mul3A_5 : i32
    "tpu.region"() ({
      %run_scoped3A = tpu.sem_alloc : memref<!tpu.dma_semaphore, #tpu.memory_space<semaphore_mem>>
      %dma_start3A_283 = arith.constant 0 : i32
      %dma_start3A_284 = tpu.memref_slice %arg2[%mul3A_6, %dma_start3A_283] : memref<10240x80xi32, #tpu.memory_space<hbm>> -> memref<320x80xi32, #tpu.memory_space<hbm>>
      %dma_start3A_285 = arith.constant 0 : i32
      %dma_start3A_286 = tpu.memref_slice %arg2[%mul3A_6, %dma_start3A_285] : memref<10240x80xi32, #tpu.memory_space<hbm>> -> memref<320x80xi32, #tpu.memory_space<hbm>>
      tpu.enqueue_dma source(%dma_start3A_286 : memref<320x80xi32, #tpu.memory_space<hbm>>) target(%arg7 : memref<320x80xi32, #tpu.memory_space<vmem>>) target_semaphore(%run_scoped3A : memref<!tpu.dma_semaphore, #tpu.memory_space<semaphore_mem>>)
      %dma_wait3A_287 = arith.constant 0 : i32
      %dma_wait3A_288 = tpu.memref_slice %arg2[%mul3A_6, %dma_wait3A_287] : memref<10240x80xi32, #tpu.memory_space<hbm>> -> memref<320x80xi32, #tpu.memory_space<hbm>>
      %dma_wait3A_289 = arith.constant 0 : i32
      %dma_wait3A_290 = tpu.memref_slice %arg2[%mul3A_6, %dma_wait3A_289] : memref<10240x80xi32, #tpu.memory_space<hbm>> -> memref<320x80xi32, #tpu.memory_space<hbm>>
      tpu.wait_dma2 semaphore(%run_scoped3A : memref<!tpu.dma_semaphore, #tpu.memory_space<semaphore_mem>>) src(%dma_wait3A_290 : memref<320x80xi32, #tpu.memory_space<hbm>>) dst(%arg7 : memref<320x80xi32, #tpu.memory_space<vmem>>)
      tpu.yield
    }) : () -> ()
    %dma_start3A = arith.constant 0 : i32
    %dma_start3A_7 = arith.constant 0 : i32
    %dma_start3A_8 = tpu.memref_slice %arg8[%dma_start3A, %dma_start3A_7] : memref<80x128xf32, #tpu.memory_space<vmem>> -> memref<80x128xf32, #tpu.memory_space<vmem>>
    %dma_start3A_9 = arith.constant 0 : i32
    %dma_start3A_10 = arith.constant 0 : i32
    %dma_start3A_11 = tpu.memref_slice %arg6[%dma_start3A_9, %dma_start3A_10] : memref<200x128xf32, #tpu.memory_space<vmem_shared>> -> memref<80x128xf32, #tpu.memory_space<vmem_shared>>
    %dma_start3A_12 = arith.constant 0 : i32
    %dma_start3A_13 = arith.constant 0 : i32
    %dma_start3A_14 = tpu.memref_slice %arg8[%dma_start3A_12, %dma_start3A_13] : memref<80x128xf32, #tpu.memory_space<vmem>> -> memref<80x128xf32, #tpu.memory_space<vmem>>
    %dma_start3A_15 = arith.constant 0 : i32
    %dma_start3A_16 = arith.constant 0 : i32
    %dma_start3A_17 = tpu.memref_slice %arg6[%dma_start3A_15, %dma_start3A_16] : memref<200x128xf32, #tpu.memory_space<vmem_shared>> -> memref<80x128xf32, #tpu.memory_space<vmem_shared>>
    tpu.enqueue_dma source(%dma_start3A_17 : memref<80x128xf32, #tpu.memory_space<vmem_shared>>) target(%dma_start3A_14 : memref<80x128xf32, #tpu.memory_space<vmem>>) target_semaphore(%arg13 : memref<!tpu.dma_semaphore, #tpu.memory_space<semaphore_mem>>)
    %dma_wait3A = arith.constant 0 : i32
    %dma_wait3A_18 = arith.constant 0 : i32
    %dma_wait3A_19 = tpu.memref_slice %arg8[%dma_wait3A, %dma_wait3A_18] : memref<80x128xf32, #tpu.memory_space<vmem>> -> memref<80x128xf32, #tpu.memory_space<vmem>>
    %dma_wait3A_20 = arith.constant 0 : i32
    %dma_wait3A_21 = arith.constant 0 : i32
    %dma_wait3A_22 = tpu.memref_slice %arg6[%dma_wait3A_20, %dma_wait3A_21] : memref<200x128xf32, #tpu.memory_space<vmem_shared>> -> memref<80x128xf32, #tpu.memory_space<vmem_shared>>
    %dma_wait3A_23 = arith.constant 0 : i32
    %dma_wait3A_24 = arith.constant 0 : i32
    %dma_wait3A_25 = tpu.memref_slice %arg8[%dma_wait3A_23, %dma_wait3A_24] : memref<80x128xf32, #tpu.memory_space<vmem>> -> memref<80x128xf32, #tpu.memory_space<vmem>>
    %dma_wait3A_26 = arith.constant 0 : i32
    %dma_wait3A_27 = arith.constant 0 : i32
    %dma_wait3A_28 = tpu.memref_slice %arg6[%dma_wait3A_26, %dma_wait3A_27] : memref<200x128xf32, #tpu.memory_space<vmem_shared>> -> memref<80x128xf32, #tpu.memory_space<vmem_shared>>
    tpu.wait_dma2 semaphore(%arg13 : memref<!tpu.dma_semaphore, #tpu.memory_space<semaphore_mem>>) src(%dma_wait3A_28 : memref<80x128xf32, #tpu.memory_space<vmem_shared>>) dst(%dma_wait3A_25 : memref<80x128xf32, #tpu.memory_space<vmem>>)
    %dma_start3A_29 = arith.constant 0 : i32
    %dma_start3A_30 = arith.constant 0 : i32
    %dma_start3A_31 = tpu.memref_slice %arg7[%dma_start3A_29, %dma_start3A_30] : memref<320x80xi32, #tpu.memory_space<vmem>> -> memref<1x80xi32, #tpu.memory_space<vmem>>
    %dma_start3A_32 = tpu.memref_squeeze %dma_start3A_31 : memref<1x80xi32, #tpu.memory_space<vmem>> -> memref<80xi32, #tpu.memory_space<vmem>>
    %dma_start3A_33 = arith.constant 0 : i32
    %dma_start3A_34 = arith.constant 0 : i32
    %dma_start3A_35 = tpu.memref_slice %arg3[%dma_start3A_33, %dma_start3A_34] : memref<100000x128xf32, #tpu.memory_space<hbm>> -> memref<100000x128xf32, #tpu.memory_space<hbm>>
    tpu.enqueue_indirect_dma source(%dma_start3A_35 : memref<100000x128xf32, #tpu.memory_space<hbm>>) target(%arg8 : memref<80x128xf32, #tpu.memory_space<vmem>>) offsets(%dma_start3A_32 : memref<80xi32, #tpu.memory_space<vmem>>) semaphore(%arg18 : memref<!tpu.dma_semaphore, #tpu.memory_space<semaphore_mem>>) {add = true}
    %dma_start3A_36 = arith.constant 0 : i32
    %dma_start3A_37 = arith.constant 0 : i32
    %dma_start3A_38 = tpu.memref_slice %arg9[%dma_start3A_36, %dma_start3A_37] : memref<80x128xf32, #tpu.memory_space<vmem>> -> memref<80x128xf32, #tpu.memory_space<vmem>>
    %dma_start3A_39 = arith.constant 80 : i32
    %dma_start3A_40 = arith.constant 0 : i32
    %dma_start3A_41 = tpu.memref_slice %arg6[%dma_start3A_39, %dma_start3A_40] : memref<200x128xf32, #tpu.memory_space<vmem_shared>> -> memref<80x128xf32, #tpu.memory_space<vmem_shared>>
    %dma_start3A_42 = arith.constant 0 : i32
    %dma_start3A_43 = arith.constant 0 : i32
    %dma_start3A_44 = tpu.memref_slice %arg9[%dma_start3A_42, %dma_start3A_43] : memref<80x128xf32, #tpu.memory_space<vmem>> -> memref<80x128xf32, #tpu.memory_space<vmem>>
    %dma_start3A_45 = arith.constant 80 : i32
    %dma_start3A_46 = arith.constant 0 : i32
    %dma_start3A_47 = tpu.memref_slice %arg6[%dma_start3A_45, %dma_start3A_46] : memref<200x128xf32, #tpu.memory_space<vmem_shared>> -> memref<80x128xf32, #tpu.memory_space<vmem_shared>>
    tpu.enqueue_dma source(%dma_start3A_47 : memref<80x128xf32, #tpu.memory_space<vmem_shared>>) target(%dma_start3A_44 : memref<80x128xf32, #tpu.memory_space<vmem>>) target_semaphore(%arg14 : memref<!tpu.dma_semaphore, #tpu.memory_space<semaphore_mem>>)
    %dma_wait3A_48 = arith.constant 0 : i32
    %dma_wait3A_49 = arith.constant 0 : i32
    %dma_wait3A_50 = tpu.memref_slice %arg9[%dma_wait3A_48, %dma_wait3A_49] : memref<80x128xf32, #tpu.memory_space<vmem>> -> memref<80x128xf32, #tpu.memory_space<vmem>>
    %dma_wait3A_51 = arith.constant 80 : i32
    %dma_wait3A_52 = arith.constant 0 : i32
    %dma_wait3A_53 = tpu.memref_slice %arg6[%dma_wait3A_51, %dma_wait3A_52] : memref<200x128xf32, #tpu.memory_space<vmem_shared>> -> memref<80x128xf32, #tpu.memory_space<vmem_shared>>
    %dma_wait3A_54 = arith.constant 0 : i32
    %dma_wait3A_55 = arith.constant 0 : i32
    %dma_wait3A_56 = tpu.memref_slice %arg9[%dma_wait3A_54, %dma_wait3A_55] : memref<80x128xf32, #tpu.memory_space<vmem>> -> memref<80x128xf32, #tpu.memory_space<vmem>>
    %dma_wait3A_57 = arith.constant 80 : i32
    %dma_wait3A_58 = arith.constant 0 : i32
    %dma_wait3A_59 = tpu.memref_slice %arg6[%dma_wait3A_57, %dma_wait3A_58] : memref<200x128xf32, #tpu.memory_space<vmem_shared>> -> memref<80x128xf32, #tpu.memory_space<vmem_shared>>
    tpu.wait_dma2 semaphore(%arg14 : memref<!tpu.dma_semaphore, #tpu.memory_space<semaphore_mem>>) src(%dma_wait3A_59 : memref<80x128xf32, #tpu.memory_space<vmem_shared>>) dst(%dma_wait3A_56 : memref<80x128xf32, #tpu.memory_space<vmem>>)
    %dma_start3A_60 = arith.constant 1 : i32
    %dma_start3A_61 = arith.constant 0 : i32
    %dma_start3A_62 = tpu.memref_slice %arg7[%dma_start3A_60, %dma_start3A_61] : memref<320x80xi32, #tpu.memory_space<vmem>> -> memref<1x80xi32, #tpu.memory_space<vmem>>
    %dma_start3A_63 = tpu.memref_squeeze %dma_start3A_62 : memref<1x80xi32, #tpu.memory_space<vmem>> -> memref<80xi32, #tpu.memory_space<vmem>>
    %dma_start3A_64 = arith.constant 0 : i32
    %dma_start3A_65 = arith.constant 0 : i32
    %dma_start3A_66 = tpu.memref_slice %arg3[%dma_start3A_64, %dma_start3A_65] : memref<100000x128xf32, #tpu.memory_space<hbm>> -> memref<100000x128xf32, #tpu.memory_space<hbm>>
    tpu.enqueue_indirect_dma source(%dma_start3A_66 : memref<100000x128xf32, #tpu.memory_space<hbm>>) target(%arg9 : memref<80x128xf32, #tpu.memory_space<vmem>>) offsets(%dma_start3A_63 : memref<80xi32, #tpu.memory_space<vmem>>) semaphore(%arg19 : memref<!tpu.dma_semaphore, #tpu.memory_space<semaphore_mem>>) {add = true}
    %dma_start3A_67 = arith.constant 0 : i32
    %dma_start3A_68 = arith.constant 0 : i32
    %dma_start3A_69 = tpu.memref_slice %arg10[%dma_start3A_67, %dma_start3A_68] : memref<80x128xf32, #tpu.memory_space<vmem>> -> memref<40x128xf32, #tpu.memory_space<vmem>>
    %dma_start3A_70 = arith.constant 160 : i32
    %dma_start3A_71 = arith.constant 0 : i32
    %dma_start3A_72 = tpu.memref_slice %arg6[%dma_start3A_70, %dma_start3A_71] : memref<200x128xf32, #tpu.memory_space<vmem_shared>> -> memref<40x128xf32, #tpu.memory_space<vmem_shared>>
    %dma_start3A_73 = arith.constant 0 : i32
    %dma_start3A_74 = arith.constant 0 : i32
    %dma_start3A_75 = tpu.memref_slice %arg10[%dma_start3A_73, %dma_start3A_74] : memref<80x128xf32, #tpu.memory_space<vmem>> -> memref<40x128xf32, #tpu.memory_space<vmem>>
    %dma_start3A_76 = arith.constant 160 : i32
    %dma_start3A_77 = arith.constant 0 : i32
    %dma_start3A_78 = tpu.memref_slice %arg6[%dma_start3A_76, %dma_start3A_77] : memref<200x128xf32, #tpu.memory_space<vmem_shared>> -> memref<40x128xf32, #tpu.memory_space<vmem_shared>>
    tpu.enqueue_dma source(%dma_start3A_78 : memref<40x128xf32, #tpu.memory_space<vmem_shared>>) target(%dma_start3A_75 : memref<40x128xf32, #tpu.memory_space<vmem>>) target_semaphore(%arg15 : memref<!tpu.dma_semaphore, #tpu.memory_space<semaphore_mem>>)
    %dma_start3A_79 = arith.constant 40 : i32
    %dma_start3A_80 = arith.constant 0 : i32
    %dma_start3A_81 = tpu.memref_slice %arg10[%dma_start3A_79, %dma_start3A_80] : memref<80x128xf32, #tpu.memory_space<vmem>> -> memref<40x128xf32, #tpu.memory_space<vmem>>
    %dma_start3A_82 = arith.constant 0 : i32
    %dma_start3A_83 = arith.constant 0 : i32
    %dma_start3A_84 = tpu.memref_slice %arg6[%dma_start3A_82, %dma_start3A_83] : memref<200x128xf32, #tpu.memory_space<vmem_shared>> -> memref<40x128xf32, #tpu.memory_space<vmem_shared>>
    %dma_start3A_85 = arith.constant 40 : i32
    %dma_start3A_86 = arith.constant 0 : i32
    %dma_start3A_87 = tpu.memref_slice %arg10[%dma_start3A_85, %dma_start3A_86] : memref<80x128xf32, #tpu.memory_space<vmem>> -> memref<40x128xf32, #tpu.memory_space<vmem>>
    %dma_start3A_88 = arith.constant 0 : i32
    %dma_start3A_89 = arith.constant 0 : i32
    %dma_start3A_90 = tpu.memref_slice %arg6[%dma_start3A_88, %dma_start3A_89] : memref<200x128xf32, #tpu.memory_space<vmem_shared>> -> memref<40x128xf32, #tpu.memory_space<vmem_shared>>
    tpu.enqueue_dma source(%dma_start3A_90 : memref<40x128xf32, #tpu.memory_space<vmem_shared>>) target(%dma_start3A_87 : memref<40x128xf32, #tpu.memory_space<vmem>>) target_semaphore(%arg15 : memref<!tpu.dma_semaphore, #tpu.memory_space<semaphore_mem>>)
    %dma_wait3A_91 = arith.constant 0 : i32
    %dma_wait3A_92 = arith.constant 0 : i32
    %dma_wait3A_93 = tpu.memref_slice %arg10[%dma_wait3A_91, %dma_wait3A_92] : memref<80x128xf32, #tpu.memory_space<vmem>> -> memref<40x128xf32, #tpu.memory_space<vmem>>
    %dma_wait3A_94 = arith.constant 160 : i32
    %dma_wait3A_95 = arith.constant 0 : i32
    %dma_wait3A_96 = tpu.memref_slice %arg6[%dma_wait3A_94, %dma_wait3A_95] : memref<200x128xf32, #tpu.memory_space<vmem_shared>> -> memref<40x128xf32, #tpu.memory_space<vmem_shared>>
    %dma_wait3A_97 = arith.constant 0 : i32
    %dma_wait3A_98 = arith.constant 0 : i32
    %dma_wait3A_99 = tpu.memref_slice %arg10[%dma_wait3A_97, %dma_wait3A_98] : memref<80x128xf32, #tpu.memory_space<vmem>> -> memref<40x128xf32, #tpu.memory_space<vmem>>
    %dma_wait3A_100 = arith.constant 160 : i32
    %dma_wait3A_101 = arith.constant 0 : i32
    %dma_wait3A_102 = tpu.memref_slice %arg6[%dma_wait3A_100, %dma_wait3A_101] : memref<200x128xf32, #tpu.memory_space<vmem_shared>> -> memref<40x128xf32, #tpu.memory_space<vmem_shared>>
    tpu.wait_dma2 semaphore(%arg15 : memref<!tpu.dma_semaphore, #tpu.memory_space<semaphore_mem>>) src(%dma_wait3A_102 : memref<40x128xf32, #tpu.memory_space<vmem_shared>>) dst(%dma_wait3A_99 : memref<40x128xf32, #tpu.memory_space<vmem>>)
    %dma_wait3A_103 = arith.constant 40 : i32
    %dma_wait3A_104 = arith.constant 0 : i32
    %dma_wait3A_105 = tpu.memref_slice %arg10[%dma_wait3A_103, %dma_wait3A_104] : memref<80x128xf32, #tpu.memory_space<vmem>> -> memref<40x128xf32, #tpu.memory_space<vmem>>
    %dma_wait3A_106 = arith.constant 0 : i32
    %dma_wait3A_107 = arith.constant 0 : i32
    %dma_wait3A_108 = tpu.memref_slice %arg6[%dma_wait3A_106, %dma_wait3A_107] : memref<200x128xf32, #tpu.memory_space<vmem_shared>> -> memref<40x128xf32, #tpu.memory_space<vmem_shared>>
    %dma_wait3A_109 = arith.constant 40 : i32
    %dma_wait3A_110 = arith.constant 0 : i32
    %dma_wait3A_111 = tpu.memref_slice %arg10[%dma_wait3A_109, %dma_wait3A_110] : memref<80x128xf32, #tpu.memory_space<vmem>> -> memref<40x128xf32, #tpu.memory_space<vmem>>
    %dma_wait3A_112 = arith.constant 0 : i32
    %dma_wait3A_113 = arith.constant 0 : i32
    %dma_wait3A_114 = tpu.memref_slice %arg6[%dma_wait3A_112, %dma_wait3A_113] : memref<200x128xf32, #tpu.memory_space<vmem_shared>> -> memref<40x128xf32, #tpu.memory_space<vmem_shared>>
    tpu.wait_dma2 semaphore(%arg15 : memref<!tpu.dma_semaphore, #tpu.memory_space<semaphore_mem>>) src(%dma_wait3A_114 : memref<40x128xf32, #tpu.memory_space<vmem_shared>>) dst(%dma_wait3A_111 : memref<40x128xf32, #tpu.memory_space<vmem>>)
    %dma_start3A_115 = arith.constant 2 : i32
    %dma_start3A_116 = arith.constant 0 : i32
    %dma_start3A_117 = tpu.memref_slice %arg7[%dma_start3A_115, %dma_start3A_116] : memref<320x80xi32, #tpu.memory_space<vmem>> -> memref<1x80xi32, #tpu.memory_space<vmem>>
    %dma_start3A_118 = tpu.memref_squeeze %dma_start3A_117 : memref<1x80xi32, #tpu.memory_space<vmem>> -> memref<80xi32, #tpu.memory_space<vmem>>
    %dma_start3A_119 = arith.constant 0 : i32
    %dma_start3A_120 = arith.constant 0 : i32
    %dma_start3A_121 = tpu.memref_slice %arg3[%dma_start3A_119, %dma_start3A_120] : memref<100000x128xf32, #tpu.memory_space<hbm>> -> memref<100000x128xf32, #tpu.memory_space<hbm>>
    tpu.enqueue_indirect_dma source(%dma_start3A_121 : memref<100000x128xf32, #tpu.memory_space<hbm>>) target(%arg10 : memref<80x128xf32, #tpu.memory_space<vmem>>) offsets(%dma_start3A_118 : memref<80xi32, #tpu.memory_space<vmem>>) semaphore(%arg20 : memref<!tpu.dma_semaphore, #tpu.memory_space<semaphore_mem>>) {add = true}
    %dma_start3A_122 = arith.constant 0 : i32
    %dma_start3A_123 = arith.constant 0 : i32
    %dma_start3A_124 = tpu.memref_slice %arg11[%dma_start3A_122, %dma_start3A_123] : memref<80x128xf32, #tpu.memory_space<vmem>> -> memref<80x128xf32, #tpu.memory_space<vmem>>
    %dma_start3A_125 = arith.constant 40 : i32
    %dma_start3A_126 = arith.constant 0 : i32
    %dma_start3A_127 = tpu.memref_slice %arg6[%dma_start3A_125, %dma_start3A_126] : memref<200x128xf32, #tpu.memory_space<vmem_shared>> -> memref<80x128xf32, #tpu.memory_space<vmem_shared>>
    %dma_start3A_128 = arith.constant 0 : i32
    %dma_start3A_129 = arith.constant 0 : i32
    %dma_start3A_130 = tpu.memref_slice %arg11[%dma_start3A_128, %dma_start3A_129] : memref<80x128xf32, #tpu.memory_space<vmem>> -> memref<80x128xf32, #tpu.memory_space<vmem>>
    %dma_start3A_131 = arith.constant 40 : i32
    %dma_start3A_132 = arith.constant 0 : i32
    %dma_start3A_133 = tpu.memref_slice %arg6[%dma_start3A_131, %dma_start3A_132] : memref<200x128xf32, #tpu.memory_space<vmem_shared>> -> memref<80x128xf32, #tpu.memory_space<vmem_shared>>
    tpu.enqueue_dma source(%dma_start3A_133 : memref<80x128xf32, #tpu.memory_space<vmem_shared>>) target(%dma_start3A_130 : memref<80x128xf32, #tpu.memory_space<vmem>>) target_semaphore(%arg16 : memref<!tpu.dma_semaphore, #tpu.memory_space<semaphore_mem>>)
    %dma_wait3A_134 = arith.constant 0 : i32
    %dma_wait3A_135 = arith.constant 0 : i32
    %dma_wait3A_136 = tpu.memref_slice %arg7[%dma_wait3A_134, %dma_wait3A_135] : memref<320x80xi32, #tpu.memory_space<vmem>> -> memref<1x80xi32, #tpu.memory_space<vmem>>
    %dma_wait3A_137 = tpu.memref_squeeze %dma_wait3A_136 : memref<1x80xi32, #tpu.memory_space<vmem>> -> memref<80xi32, #tpu.memory_space<vmem>>
    %dma_wait3A_138 = arith.constant 0 : i32
    %dma_wait3A_139 = arith.constant 0 : i32
    %dma_wait3A_140 = tpu.memref_slice %arg3[%dma_wait3A_138, %dma_wait3A_139] : memref<100000x128xf32, #tpu.memory_space<hbm>> -> memref<100000x128xf32, #tpu.memory_space<hbm>>
    tpu.wait_indirect_dma semaphore(%arg18 : memref<!tpu.dma_semaphore, #tpu.memory_space<semaphore_mem>>) src(%dma_wait3A_140 : memref<100000x128xf32, #tpu.memory_space<hbm>>) dst(%arg8 : memref<80x128xf32, #tpu.memory_space<vmem>>)
    %add3A_141 = arith.constant 0 : i32
    %add3A_142 = arith.addi %mul3A_2, %add3A_141 : i32
    %dma_start3A_143 = arith.constant 0 : i32
    %dma_start3A_144 = tpu.memref_slice %arg5[%add3A_142, %dma_start3A_143] : memref<819200x128xf32, #tpu.memory_space<hbm>> -> memref<80x128xf32, #tpu.memory_space<hbm>>
    %dma_start3A_145 = arith.constant 0 : i32
    %dma_start3A_146 = tpu.memref_slice %arg5[%add3A_142, %dma_start3A_145] : memref<819200x128xf32, #tpu.memory_space<hbm>> -> memref<80x128xf32, #tpu.memory_space<hbm>>
    tpu.enqueue_dma source(%arg8 : memref<80x128xf32, #tpu.memory_space<vmem>>) target(%dma_start3A_146 : memref<80x128xf32, #tpu.memory_space<hbm>>) target_semaphore(%arg23 : memref<!tpu.dma_semaphore, #tpu.memory_space<semaphore_mem>>)
    %dma_wait3A_147 = arith.constant 0 : i32
    %dma_wait3A_148 = arith.constant 0 : i32
    %dma_wait3A_149 = tpu.memref_slice %arg11[%dma_wait3A_147, %dma_wait3A_148] : memref<80x128xf32, #tpu.memory_space<vmem>> -> memref<80x128xf32, #tpu.memory_space<vmem>>
    %dma_wait3A_150 = arith.constant 40 : i32
    %dma_wait3A_151 = arith.constant 0 : i32
    %dma_wait3A_152 = tpu.memref_slice %arg6[%dma_wait3A_150, %dma_wait3A_151] : memref<200x128xf32, #tpu.memory_space<vmem_shared>> -> memref<80x128xf32, #tpu.memory_space<vmem_shared>>
    %dma_wait3A_153 = arith.constant 0 : i32
    %dma_wait3A_154 = arith.constant 0 : i32
    %dma_wait3A_155 = tpu.memref_slice %arg11[%dma_wait3A_153, %dma_wait3A_154] : memref<80x128xf32, #tpu.memory_space<vmem>> -> memref<80x128xf32, #tpu.memory_space<vmem>>
    %dma_wait3A_156 = arith.constant 40 : i32
    %dma_wait3A_157 = arith.constant 0 : i32
    %dma_wait3A_158 = tpu.memref_slice %arg6[%dma_wait3A_156, %dma_wait3A_157] : memref<200x128xf32, #tpu.memory_space<vmem_shared>> -> memref<80x128xf32, #tpu.memory_space<vmem_shared>>
    tpu.wait_dma2 semaphore(%arg16 : memref<!tpu.dma_semaphore, #tpu.memory_space<semaphore_mem>>) src(%dma_wait3A_158 : memref<80x128xf32, #tpu.memory_space<vmem_shared>>) dst(%dma_wait3A_155 : memref<80x128xf32, #tpu.memory_space<vmem>>)
    %dma_start3A_159 = arith.constant 3 : i32
    %dma_start3A_160 = arith.constant 0 : i32
    %dma_start3A_161 = tpu.memref_slice %arg7[%dma_start3A_159, %dma_start3A_160] : memref<320x80xi32, #tpu.memory_space<vmem>> -> memref<1x80xi32, #tpu.memory_space<vmem>>
    %dma_start3A_162 = tpu.memref_squeeze %dma_start3A_161 : memref<1x80xi32, #tpu.memory_space<vmem>> -> memref<80xi32, #tpu.memory_space<vmem>>
    %dma_start3A_163 = arith.constant 0 : i32
    %dma_start3A_164 = arith.constant 0 : i32
    %dma_start3A_165 = tpu.memref_slice %arg3[%dma_start3A_163, %dma_start3A_164] : memref<100000x128xf32, #tpu.memory_space<hbm>> -> memref<100000x128xf32, #tpu.memory_space<hbm>>
    tpu.enqueue_indirect_dma source(%dma_start3A_165 : memref<100000x128xf32, #tpu.memory_space<hbm>>) target(%arg11 : memref<80x128xf32, #tpu.memory_space<vmem>>) offsets(%dma_start3A_162 : memref<80xi32, #tpu.memory_space<vmem>>) semaphore(%arg21 : memref<!tpu.dma_semaphore, #tpu.memory_space<semaphore_mem>>) {add = true}
    %dma_start3A_166 = arith.constant 0 : i32
    %dma_start3A_167 = arith.constant 0 : i32
    %dma_start3A_168 = tpu.memref_slice %arg12[%dma_start3A_166, %dma_start3A_167] : memref<80x128xf32, #tpu.memory_space<vmem>> -> memref<80x128xf32, #tpu.memory_space<vmem>>
    %dma_start3A_169 = arith.constant 120 : i32
    %dma_start3A_170 = arith.constant 0 : i32
    %dma_start3A_171 = tpu.memref_slice %arg6[%dma_start3A_169, %dma_start3A_170] : memref<200x128xf32, #tpu.memory_space<vmem_shared>> -> memref<80x128xf32, #tpu.memory_space<vmem_shared>>
    %dma_start3A_172 = arith.constant 0 : i32
    %dma_start3A_173 = arith.constant 0 : i32
    %dma_start3A_174 = tpu.memref_slice %arg12[%dma_start3A_172, %dma_start3A_173] : memref<80x128xf32, #tpu.memory_space<vmem>> -> memref<80x128xf32, #tpu.memory_space<vmem>>
    %dma_start3A_175 = arith.constant 120 : i32
    %dma_start3A_176 = arith.constant 0 : i32
    %dma_start3A_177 = tpu.memref_slice %arg6[%dma_start3A_175, %dma_start3A_176] : memref<200x128xf32, #tpu.memory_space<vmem_shared>> -> memref<80x128xf32, #tpu.memory_space<vmem_shared>>
    tpu.enqueue_dma source(%dma_start3A_177 : memref<80x128xf32, #tpu.memory_space<vmem_shared>>) target(%dma_start3A_174 : memref<80x128xf32, #tpu.memory_space<vmem>>) target_semaphore(%arg17 : memref<!tpu.dma_semaphore, #tpu.memory_space<semaphore_mem>>)
    %dma_wait3A_178 = arith.constant 1 : i32
    %dma_wait3A_179 = arith.constant 0 : i32
    %dma_wait3A_180 = tpu.memref_slice %arg7[%dma_wait3A_178, %dma_wait3A_179] : memref<320x80xi32, #tpu.memory_space<vmem>> -> memref<1x80xi32, #tpu.memory_space<vmem>>
    %dma_wait3A_181 = tpu.memref_squeeze %dma_wait3A_180 : memref<1x80xi32, #tpu.memory_space<vmem>> -> memref<80xi32, #tpu.memory_space<vmem>>
    %dma_wait3A_182 = arith.constant 0 : i32
    %dma_wait3A_183 = arith.constant 0 : i32
    %dma_wait3A_184 = tpu.memref_slice %arg3[%dma_wait3A_182, %dma_wait3A_183] : memref<100000x128xf32, #tpu.memory_space<hbm>> -> memref<100000x128xf32, #tpu.memory_space<hbm>>
    tpu.wait_indirect_dma semaphore(%arg19 : memref<!tpu.dma_semaphore, #tpu.memory_space<semaphore_mem>>) src(%dma_wait3A_184 : memref<100000x128xf32, #tpu.memory_space<hbm>>) dst(%arg9 : memref<80x128xf32, #tpu.memory_space<vmem>>)
    %add3A_185 = arith.constant 80 : i32
    %add3A_186 = arith.addi %mul3A_2, %add3A_185 : i32
    %dma_start3A_187 = arith.constant 0 : i32
    %dma_start3A_188 = tpu.memref_slice %arg5[%add3A_186, %dma_start3A_187] : memref<819200x128xf32, #tpu.memory_space<hbm>> -> memref<80x128xf32, #tpu.memory_space<hbm>>
    %dma_start3A_189 = arith.constant 0 : i32
    %dma_start3A_190 = tpu.memref_slice %arg5[%add3A_186, %dma_start3A_189] : memref<819200x128xf32, #tpu.memory_space<hbm>> -> memref<80x128xf32, #tpu.memory_space<hbm>>
    tpu.enqueue_dma source(%arg9 : memref<80x128xf32, #tpu.memory_space<vmem>>) target(%dma_start3A_190 : memref<80x128xf32, #tpu.memory_space<hbm>>) target_semaphore(%arg24 : memref<!tpu.dma_semaphore, #tpu.memory_space<semaphore_mem>>)
    %dma_wait3A_191 = arith.constant 0 : i32
    %dma_wait3A_192 = arith.constant 0 : i32
    %dma_wait3A_193 = tpu.memref_slice %arg12[%dma_wait3A_191, %dma_wait3A_192] : memref<80x128xf32, #tpu.memory_space<vmem>> -> memref<80x128xf32, #tpu.memory_space<vmem>>
    %dma_wait3A_194 = arith.constant 120 : i32
    %dma_wait3A_195 = arith.constant 0 : i32
    %dma_wait3A_196 = tpu.memref_slice %arg6[%dma_wait3A_194, %dma_wait3A_195] : memref<200x128xf32, #tpu.memory_space<vmem_shared>> -> memref<80x128xf32, #tpu.memory_space<vmem_shared>>
    %dma_wait3A_197 = arith.constant 0 : i32
    %dma_wait3A_198 = arith.constant 0 : i32
    %dma_wait3A_199 = tpu.memref_slice %arg12[%dma_wait3A_197, %dma_wait3A_198] : memref<80x128xf32, #tpu.memory_space<vmem>> -> memref<80x128xf32, #tpu.memory_space<vmem>>
    %dma_wait3A_200 = arith.constant 120 : i32
    %dma_wait3A_201 = arith.constant 0 : i32
    %dma_wait3A_202 = tpu.memref_slice %arg6[%dma_wait3A_200, %dma_wait3A_201] : memref<200x128xf32, #tpu.memory_space<vmem_shared>> -> memref<80x128xf32, #tpu.memory_space<vmem_shared>>
    tpu.wait_dma2 semaphore(%arg17 : memref<!tpu.dma_semaphore, #tpu.memory_space<semaphore_mem>>) src(%dma_wait3A_202 : memref<80x128xf32, #tpu.memory_space<vmem_shared>>) dst(%dma_wait3A_199 : memref<80x128xf32, #tpu.memory_space<vmem>>)
    %dma_start3A_203 = arith.constant 4 : i32
    %dma_start3A_204 = arith.constant 0 : i32
    %dma_start3A_205 = tpu.memref_slice %arg7[%dma_start3A_203, %dma_start3A_204] : memref<320x80xi32, #tpu.memory_space<vmem>> -> memref<1x80xi32, #tpu.memory_space<vmem>>
    %dma_start3A_206 = tpu.memref_squeeze %dma_start3A_205 : memref<1x80xi32, #tpu.memory_space<vmem>> -> memref<80xi32, #tpu.memory_space<vmem>>
    %dma_start3A_207 = arith.constant 0 : i32
    %dma_start3A_208 = arith.constant 0 : i32
    %dma_start3A_209 = tpu.memref_slice %arg3[%dma_start3A_207, %dma_start3A_208] : memref<100000x128xf32, #tpu.memory_space<hbm>> -> memref<100000x128xf32, #tpu.memory_space<hbm>>
    tpu.enqueue_indirect_dma source(%dma_start3A_209 : memref<100000x128xf32, #tpu.memory_space<hbm>>) target(%arg12 : memref<80x128xf32, #tpu.memory_space<vmem>>) offsets(%dma_start3A_206 : memref<80xi32, #tpu.memory_space<vmem>>) semaphore(%arg22 : memref<!tpu.dma_semaphore, #tpu.memory_space<semaphore_mem>>) {add = true}
    %scan3A = arith.constant 0 : i32
    %scan3A_210 = arith.constant 63 : i32
    %scan3A_211 = arith.addi %scan3A, %scan3A_210 : i32
    %scan3A_212 = arith.constant 1 : i32
    scf.for %scan3A_283 = %scan3A to %scan3A_211 step %scan3A_212  : i32 {
      %mul3A_284 = arith.constant 5 : i32
      %mul3A_285 = arith.muli %scan3A_283, %mul3A_284 : i32
      %add3A_286 = arith.constant 2 : i32
      %add3A_287 = arith.addi %add3A_286, %mul3A_285 : i32
      %add3A_288 = arith.constant 0 : i32
      %add3A_289 = arith.addi %add3A_287, %add3A_288 : i32
      %sub3A = arith.constant 2 : i32
      %sub3A_290 = arith.subi %add3A_289, %sub3A : i32
      %mul3A_291 = arith.constant 80 : i32
      %mul3A_292 = arith.muli %sub3A_290, %mul3A_291 : i32
      %add3A_293 = arith.addi %mul3A_2, %mul3A_292 : i32
      %dma_wait3A_294 = arith.constant 0 : i32
      %dma_wait3A_295 = tpu.memref_slice %arg5[%add3A_293, %dma_wait3A_294] : memref<819200x128xf32, #tpu.memory_space<hbm>> -> memref<80x128xf32, #tpu.memory_space<hbm>>
      %dma_wait3A_296 = arith.constant 0 : i32
      %dma_wait3A_297 = tpu.memref_slice %arg5[%add3A_293, %dma_wait3A_296] : memref<819200x128xf32, #tpu.memory_space<hbm>> -> memref<80x128xf32, #tpu.memory_space<hbm>>
      tpu.wait_dma2 semaphore(%arg23 : memref<!tpu.dma_semaphore, #tpu.memory_space<semaphore_mem>>) src(%arg8 : memref<80x128xf32, #tpu.memory_space<vmem>>) dst(%dma_wait3A_297 : memref<80x128xf32, #tpu.memory_space<hbm>>)
      %dma_start3A_298 = arith.constant 0 : i32
      %dma_start3A_299 = arith.constant 0 : i32
      %dma_start3A_300 = tpu.memref_slice %arg8[%dma_start3A_298, %dma_start3A_299] : memref<80x128xf32, #tpu.memory_space<vmem>> -> memref<80x128xf32, #tpu.memory_space<vmem>>
      %dma_start3A_301 = arith.constant 0 : i32
      %dma_start3A_302 = arith.constant 0 : i32
      %dma_start3A_303 = tpu.memref_slice %arg6[%dma_start3A_301, %dma_start3A_302] : memref<200x128xf32, #tpu.memory_space<vmem_shared>> -> memref<80x128xf32, #tpu.memory_space<vmem_shared>>
      %dma_start3A_304 = arith.constant 0 : i32
      %dma_start3A_305 = arith.constant 0 : i32
      %dma_start3A_306 = tpu.memref_slice %arg8[%dma_start3A_304, %dma_start3A_305] : memref<80x128xf32, #tpu.memory_space<vmem>> -> memref<80x128xf32, #tpu.memory_space<vmem>>
      %dma_start3A_307 = arith.constant 0 : i32
      %dma_start3A_308 = arith.constant 0 : i32
      %dma_start3A_309 = tpu.memref_slice %arg6[%dma_start3A_307, %dma_start3A_308] : memref<200x128xf32, #tpu.memory_space<vmem_shared>> -> memref<80x128xf32, #tpu.memory_space<vmem_shared>>
      tpu.enqueue_dma source(%dma_start3A_309 : memref<80x128xf32, #tpu.memory_space<vmem_shared>>) target(%dma_start3A_306 : memref<80x128xf32, #tpu.memory_space<vmem>>) target_semaphore(%arg13 : memref<!tpu.dma_semaphore, #tpu.memory_space<semaphore_mem>>)
      %dma_wait3A_310 = arith.constant 0 : i32
      %dma_wait3A_311 = tpu.memref_slice %arg7[%add3A_289, %dma_wait3A_310] : memref<320x80xi32, #tpu.memory_space<vmem>> -> memref<1x80xi32, #tpu.memory_space<vmem>>
      %dma_wait3A_312 = tpu.memref_squeeze %dma_wait3A_311 : memref<1x80xi32, #tpu.memory_space<vmem>> -> memref<80xi32, #tpu.memory_space<vmem>>
      %dma_wait3A_313 = arith.constant 0 : i32
      %dma_wait3A_314 = arith.constant 0 : i32
      %dma_wait3A_315 = tpu.memref_slice %arg3[%dma_wait3A_313, %dma_wait3A_314] : memref<100000x128xf32, #tpu.memory_space<hbm>> -> memref<100000x128xf32, #tpu.memory_space<hbm>>
      tpu.wait_indirect_dma semaphore(%arg20 : memref<!tpu.dma_semaphore, #tpu.memory_space<semaphore_mem>>) src(%dma_wait3A_315 : memref<100000x128xf32, #tpu.memory_space<hbm>>) dst(%arg10 : memref<80x128xf32, #tpu.memory_space<vmem>>)
      %mul3A_316 = arith.constant 80 : i32
      %mul3A_317 = arith.muli %add3A_289, %mul3A_316 : i32
      %add3A_318 = arith.addi %mul3A_2, %mul3A_317 : i32
      %dma_start3A_319 = arith.constant 0 : i32
      %dma_start3A_320 = tpu.memref_slice %arg5[%add3A_318, %dma_start3A_319] : memref<819200x128xf32, #tpu.memory_space<hbm>> -> memref<80x128xf32, #tpu.memory_space<hbm>>
      %dma_start3A_321 = arith.constant 0 : i32
      %dma_start3A_322 = tpu.memref_slice %arg5[%add3A_318, %dma_start3A_321] : memref<819200x128xf32, #tpu.memory_space<hbm>> -> memref<80x128xf32, #tpu.memory_space<hbm>>
      tpu.enqueue_dma source(%arg10 : memref<80x128xf32, #tpu.memory_space<vmem>>) target(%dma_start3A_322 : memref<80x128xf32, #tpu.memory_space<hbm>>) target_semaphore(%arg25 : memref<!tpu.dma_semaphore, #tpu.memory_space<semaphore_mem>>)
      %add3A_323 = arith.constant 3 : i32
      %add3A_324 = arith.addi %add3A_289, %add3A_323 : i32
      %dma_wait3A_325 = arith.constant 0 : i32
      %dma_wait3A_326 = arith.constant 0 : i32
      %dma_wait3A_327 = tpu.memref_slice %arg8[%dma_wait3A_325, %dma_wait3A_326] : memref<80x128xf32, #tpu.memory_space<vmem>> -> memref<80x128xf32, #tpu.memory_space<vmem>>
      %dma_wait3A_328 = arith.constant 0 : i32
      %dma_wait3A_329 = arith.constant 0 : i32
      %dma_wait3A_330 = tpu.memref_slice %arg6[%dma_wait3A_328, %dma_wait3A_329] : memref<200x128xf32, #tpu.memory_space<vmem_shared>> -> memref<80x128xf32, #tpu.memory_space<vmem_shared>>
      %dma_wait3A_331 = arith.constant 0 : i32
      %dma_wait3A_332 = arith.constant 0 : i32
      %dma_wait3A_333 = tpu.memref_slice %arg8[%dma_wait3A_331, %dma_wait3A_332] : memref<80x128xf32, #tpu.memory_space<vmem>> -> memref<80x128xf32, #tpu.memory_space<vmem>>
      %dma_wait3A_334 = arith.constant 0 : i32
      %dma_wait3A_335 = arith.constant 0 : i32
      %dma_wait3A_336 = tpu.memref_slice %arg6[%dma_wait3A_334, %dma_wait3A_335] : memref<200x128xf32, #tpu.memory_space<vmem_shared>> -> memref<80x128xf32, #tpu.memory_space<vmem_shared>>
      tpu.wait_dma2 semaphore(%arg13 : memref<!tpu.dma_semaphore, #tpu.memory_space<semaphore_mem>>) src(%dma_wait3A_336 : memref<80x128xf32, #tpu.memory_space<vmem_shared>>) dst(%dma_wait3A_333 : memref<80x128xf32, #tpu.memory_space<vmem>>)
      %dma_start3A_337 = arith.constant 0 : i32
      %dma_start3A_338 = tpu.memref_slice %arg7[%add3A_324, %dma_start3A_337] : memref<320x80xi32, #tpu.memory_space<vmem>> -> memref<1x80xi32, #tpu.memory_space<vmem>>
      %dma_start3A_339 = tpu.memref_squeeze %dma_start3A_338 : memref<1x80xi32, #tpu.memory_space<vmem>> -> memref<80xi32, #tpu.memory_space<vmem>>
      %dma_start3A_340 = arith.constant 0 : i32
      %dma_start3A_341 = arith.constant 0 : i32
      %dma_start3A_342 = tpu.memref_slice %arg3[%dma_start3A_340, %dma_start3A_341] : memref<100000x128xf32, #tpu.memory_space<hbm>> -> memref<100000x128xf32, #tpu.memory_space<hbm>>
      tpu.enqueue_indirect_dma source(%dma_start3A_342 : memref<100000x128xf32, #tpu.memory_space<hbm>>) target(%arg8 : memref<80x128xf32, #tpu.memory_space<vmem>>) offsets(%dma_start3A_339 : memref<80xi32, #tpu.memory_space<vmem>>) semaphore(%arg18 : memref<!tpu.dma_semaphore, #tpu.memory_space<semaphore_mem>>) {add = true}
      %add3A_343 = arith.constant 1 : i32
      %add3A_344 = arith.addi %add3A_287, %add3A_343 : i32
      %sub3A_345 = arith.constant 2 : i32
      %sub3A_346 = arith.subi %add3A_344, %sub3A_345 : i32
      %mul3A_347 = arith.constant 80 : i32
      %mul3A_348 = arith.muli %sub3A_346, %mul3A_347 : i32
      %add3A_349 = arith.addi %mul3A_2, %mul3A_348 : i32
      %dma_wait3A_350 = arith.constant 0 : i32
      %dma_wait3A_351 = tpu.memref_slice %arg5[%add3A_349, %dma_wait3A_350] : memref<819200x128xf32, #tpu.memory_space<hbm>> -> memref<80x128xf32, #tpu.memory_space<hbm>>
      %dma_wait3A_352 = arith.constant 0 : i32
      %dma_wait3A_353 = tpu.memref_slice %arg5[%add3A_349, %dma_wait3A_352] : memref<819200x128xf32, #tpu.memory_space<hbm>> -> memref<80x128xf32, #tpu.memory_space<hbm>>
      tpu.wait_dma2 semaphore(%arg24 : memref<!tpu.dma_semaphore, #tpu.memory_space<semaphore_mem>>) src(%arg9 : memref<80x128xf32, #tpu.memory_space<vmem>>) dst(%dma_wait3A_353 : memref<80x128xf32, #tpu.memory_space<hbm>>)
      %dma_start3A_354 = arith.constant 0 : i32
      %dma_start3A_355 = arith.constant 0 : i32
      %dma_start3A_356 = tpu.memref_slice %arg9[%dma_start3A_354, %dma_start3A_355] : memref<80x128xf32, #tpu.memory_space<vmem>> -> memref<80x128xf32, #tpu.memory_space<vmem>>
      %dma_start3A_357 = arith.constant 80 : i32
      %dma_start3A_358 = arith.constant 0 : i32
      %dma_start3A_359 = tpu.memref_slice %arg6[%dma_start3A_357, %dma_start3A_358] : memref<200x128xf32, #tpu.memory_space<vmem_shared>> -> memref<80x128xf32, #tpu.memory_space<vmem_shared>>
      %dma_start3A_360 = arith.constant 0 : i32
      %dma_start3A_361 = arith.constant 0 : i32
      %dma_start3A_362 = tpu.memref_slice %arg9[%dma_start3A_360, %dma_start3A_361] : memref<80x128xf32, #tpu.memory_space<vmem>> -> memref<80x128xf32, #tpu.memory_space<vmem>>
      %dma_start3A_363 = arith.constant 80 : i32
      %dma_start3A_364 = arith.constant 0 : i32
      %dma_start3A_365 = tpu.memref_slice %arg6[%dma_start3A_363, %dma_start3A_364] : memref<200x128xf32, #tpu.memory_space<vmem_shared>> -> memref<80x128xf32, #tpu.memory_space<vmem_shared>>
      tpu.enqueue_dma source(%dma_start3A_365 : memref<80x128xf32, #tpu.memory_space<vmem_shared>>) target(%dma_start3A_362 : memref<80x128xf32, #tpu.memory_space<vmem>>) target_semaphore(%arg14 : memref<!tpu.dma_semaphore, #tpu.memory_space<semaphore_mem>>)
      %dma_wait3A_366 = arith.constant 0 : i32
      %dma_wait3A_367 = tpu.memref_slice %arg7[%add3A_344, %dma_wait3A_366] : memref<320x80xi32, #tpu.memory_space<vmem>> -> memref<1x80xi32, #tpu.memory_space<vmem>>
      %dma_wait3A_368 = tpu.memref_squeeze %dma_wait3A_367 : memref<1x80xi32, #tpu.memory_space<vmem>> -> memref<80xi32, #tpu.memory_space<vmem>>
      %dma_wait3A_369 = arith.constant 0 : i32
      %dma_wait3A_370 = arith.constant 0 : i32
      %dma_wait3A_371 = tpu.memref_slice %arg3[%dma_wait3A_369, %dma_wait3A_370] : memref<100000x128xf32, #tpu.memory_space<hbm>> -> memref<100000x128xf32, #tpu.memory_space<hbm>>
      tpu.wait_indirect_dma semaphore(%arg21 : memref<!tpu.dma_semaphore, #tpu.memory_space<semaphore_mem>>) src(%dma_wait3A_371 : memref<100000x128xf32, #tpu.memory_space<hbm>>) dst(%arg11 : memref<80x128xf32, #tpu.memory_space<vmem>>)
      %mul3A_372 = arith.constant 80 : i32
      %mul3A_373 = arith.muli %add3A_344, %mul3A_372 : i32
      %add3A_374 = arith.addi %mul3A_2, %mul3A_373 : i32
      %dma_start3A_375 = arith.constant 0 : i32
      %dma_start3A_376 = tpu.memref_slice %arg5[%add3A_374, %dma_start3A_375] : memref<819200x128xf32, #tpu.memory_space<hbm>> -> memref<80x128xf32, #tpu.memory_space<hbm>>
      %dma_start3A_377 = arith.constant 0 : i32
      %dma_start3A_378 = tpu.memref_slice %arg5[%add3A_374, %dma_start3A_377] : memref<819200x128xf32, #tpu.memory_space<hbm>> -> memref<80x128xf32, #tpu.memory_space<hbm>>
      tpu.enqueue_dma source(%arg11 : memref<80x128xf32, #tpu.memory_space<vmem>>) target(%dma_start3A_378 : memref<80x128xf32, #tpu.memory_space<hbm>>) target_semaphore(%arg26 : memref<!tpu.dma_semaphore, #tpu.memory_space<semaphore_mem>>)
      %add3A_379 = arith.constant 3 : i32
      %add3A_380 = arith.addi %add3A_344, %add3A_379 : i32
      %dma_wait3A_381 = arith.constant 0 : i32
      %dma_wait3A_382 = arith.constant 0 : i32
      %dma_wait3A_383 = tpu.memref_slice %arg9[%dma_wait3A_381, %dma_wait3A_382] : memref<80x128xf32, #tpu.memory_space<vmem>> -> memref<80x128xf32, #tpu.memory_space<vmem>>
      %dma_wait3A_384 = arith.constant 80 : i32
      %dma_wait3A_385 = arith.constant 0 : i32
      %dma_wait3A_386 = tpu.memref_slice %arg6[%dma_wait3A_384, %dma_wait3A_385] : memref<200x128xf32, #tpu.memory_space<vmem_shared>> -> memref<80x128xf32, #tpu.memory_space<vmem_shared>>
      %dma_wait3A_387 = arith.constant 0 : i32
      %dma_wait3A_388 = arith.constant 0 : i32
      %dma_wait3A_389 = tpu.memref_slice %arg9[%dma_wait3A_387, %dma_wait3A_388] : memref<80x128xf32, #tpu.memory_space<vmem>> -> memref<80x128xf32, #tpu.memory_space<vmem>>
      %dma_wait3A_390 = arith.constant 80 : i32
      %dma_wait3A_391 = arith.constant 0 : i32
      %dma_wait3A_392 = tpu.memref_slice %arg6[%dma_wait3A_390, %dma_wait3A_391] : memref<200x128xf32, #tpu.memory_space<vmem_shared>> -> memref<80x128xf32, #tpu.memory_space<vmem_shared>>
      tpu.wait_dma2 semaphore(%arg14 : memref<!tpu.dma_semaphore, #tpu.memory_space<semaphore_mem>>) src(%dma_wait3A_392 : memref<80x128xf32, #tpu.memory_space<vmem_shared>>) dst(%dma_wait3A_389 : memref<80x128xf32, #tpu.memory_space<vmem>>)
      %dma_start3A_393 = arith.constant 0 : i32
      %dma_start3A_394 = tpu.memref_slice %arg7[%add3A_380, %dma_start3A_393] : memref<320x80xi32, #tpu.memory_space<vmem>> -> memref<1x80xi32, #tpu.memory_space<vmem>>
      %dma_start3A_395 = tpu.memref_squeeze %dma_start3A_394 : memref<1x80xi32, #tpu.memory_space<vmem>> -> memref<80xi32, #tpu.memory_space<vmem>>
      %dma_start3A_396 = arith.constant 0 : i32
      %dma_start3A_397 = arith.constant 0 : i32
      %dma_start3A_398 = tpu.memref_slice %arg3[%dma_start3A_396, %dma_start3A_397] : memref<100000x128xf32, #tpu.memory_space<hbm>> -> memref<100000x128xf32, #tpu.memory_space<hbm>>
      tpu.enqueue_indirect_dma source(%dma_start3A_398 : memref<100000x128xf32, #tpu.memory_space<hbm>>) target(%arg9 : memref<80x128xf32, #tpu.memory_space<vmem>>) offsets(%dma_start3A_395 : memref<80xi32, #tpu.memory_space<vmem>>) semaphore(%arg19 : memref<!tpu.dma_semaphore, #tpu.memory_space<semaphore_mem>>) {add = true}
      %add3A_399 = arith.constant 2 : i32
      %add3A_400 = arith.addi %add3A_287, %add3A_399 : i32
      %sub3A_401 = arith.constant 2 : i32
      %sub3A_402 = arith.subi %add3A_400, %sub3A_401 : i32
      %mul3A_403 = arith.constant 80 : i32
      %mul3A_404 = arith.muli %sub3A_402, %mul3A_403 : i32
      %add3A_405 = arith.addi %mul3A_2, %mul3A_404 : i32
      %dma_wait3A_406 = arith.constant 0 : i32
      %dma_wait3A_407 = tpu.memref_slice %arg5[%add3A_405, %dma_wait3A_406] : memref<819200x128xf32, #tpu.memory_space<hbm>> -> memref<80x128xf32, #tpu.memory_space<hbm>>
      %dma_wait3A_408 = arith.constant 0 : i32
      %dma_wait3A_409 = tpu.memref_slice %arg5[%add3A_405, %dma_wait3A_408] : memref<819200x128xf32, #tpu.memory_space<hbm>> -> memref<80x128xf32, #tpu.memory_space<hbm>>
      tpu.wait_dma2 semaphore(%arg25 : memref<!tpu.dma_semaphore, #tpu.memory_space<semaphore_mem>>) src(%arg10 : memref<80x128xf32, #tpu.memory_space<vmem>>) dst(%dma_wait3A_409 : memref<80x128xf32, #tpu.memory_space<hbm>>)
      %dma_start3A_410 = arith.constant 0 : i32
      %dma_start3A_411 = arith.constant 0 : i32
      %dma_start3A_412 = tpu.memref_slice %arg10[%dma_start3A_410, %dma_start3A_411] : memref<80x128xf32, #tpu.memory_space<vmem>> -> memref<40x128xf32, #tpu.memory_space<vmem>>
      %dma_start3A_413 = arith.constant 160 : i32
      %dma_start3A_414 = arith.constant 0 : i32
      %dma_start3A_415 = tpu.memref_slice %arg6[%dma_start3A_413, %dma_start3A_414] : memref<200x128xf32, #tpu.memory_space<vmem_shared>> -> memref<40x128xf32, #tpu.memory_space<vmem_shared>>
      %dma_start3A_416 = arith.constant 0 : i32
      %dma_start3A_417 = arith.constant 0 : i32
      %dma_start3A_418 = tpu.memref_slice %arg10[%dma_start3A_416, %dma_start3A_417] : memref<80x128xf32, #tpu.memory_space<vmem>> -> memref<40x128xf32, #tpu.memory_space<vmem>>
      %dma_start3A_419 = arith.constant 160 : i32
      %dma_start3A_420 = arith.constant 0 : i32
      %dma_start3A_421 = tpu.memref_slice %arg6[%dma_start3A_419, %dma_start3A_420] : memref<200x128xf32, #tpu.memory_space<vmem_shared>> -> memref<40x128xf32, #tpu.memory_space<vmem_shared>>
      tpu.enqueue_dma source(%dma_start3A_421 : memref<40x128xf32, #tpu.memory_space<vmem_shared>>) target(%dma_start3A_418 : memref<40x128xf32, #tpu.memory_space<vmem>>) target_semaphore(%arg15 : memref<!tpu.dma_semaphore, #tpu.memory_space<semaphore_mem>>)
      %dma_start3A_422 = arith.constant 40 : i32
      %dma_start3A_423 = arith.constant 0 : i32
      %dma_start3A_424 = tpu.memref_slice %arg10[%dma_start3A_422, %dma_start3A_423] : memref<80x128xf32, #tpu.memory_space<vmem>> -> memref<40x128xf32, #tpu.memory_space<vmem>>
      %dma_start3A_425 = arith.constant 0 : i32
      %dma_start3A_426 = arith.constant 0 : i32
      %dma_start3A_427 = tpu.memref_slice %arg6[%dma_start3A_425, %dma_start3A_426] : memref<200x128xf32, #tpu.memory_space<vmem_shared>> -> memref<40x128xf32, #tpu.memory_space<vmem_shared>>
      %dma_start3A_428 = arith.constant 40 : i32
      %dma_start3A_429 = arith.constant 0 : i32
      %dma_start3A_430 = tpu.memref_slice %arg10[%dma_start3A_428, %dma_start3A_429] : memref<80x128xf32, #tpu.memory_space<vmem>> -> memref<40x128xf32, #tpu.memory_space<vmem>>
      %dma_start3A_431 = arith.constant 0 : i32
      %dma_start3A_432 = arith.constant 0 : i32
      %dma_start3A_433 = tpu.memref_slice %arg6[%dma_start3A_431, %dma_start3A_432] : memref<200x128xf32, #tpu.memory_space<vmem_shared>> -> memref<40x128xf32, #tpu.memory_space<vmem_shared>>
      tpu.enqueue_dma source(%dma_start3A_433 : memref<40x128xf32, #tpu.memory_space<vmem_shared>>) target(%dma_start3A_430 : memref<40x128xf32, #tpu.memory_space<vmem>>) target_semaphore(%arg15 : memref<!tpu.dma_semaphore, #tpu.memory_space<semaphore_mem>>)
      %dma_wait3A_434 = arith.constant 0 : i32
      %dma_wait3A_435 = tpu.memref_slice %arg7[%add3A_400, %dma_wait3A_434] : memref<320x80xi32, #tpu.memory_space<vmem>> -> memref<1x80xi32, #tpu.memory_space<vmem>>
      %dma_wait3A_436 = tpu.memref_squeeze %dma_wait3A_435 : memref<1x80xi32, #tpu.memory_space<vmem>> -> memref<80xi32, #tpu.memory_space<vmem>>
      %dma_wait3A_437 = arith.constant 0 : i32
      %dma_wait3A_438 = arith.constant 0 : i32
      %dma_wait3A_439 = tpu.memref_slice %arg3[%dma_wait3A_437, %dma_wait3A_438] : memref<100000x128xf32, #tpu.memory_space<hbm>> -> memref<100000x128xf32, #tpu.memory_space<hbm>>
      tpu.wait_indirect_dma semaphore(%arg22 : memref<!tpu.dma_semaphore, #tpu.memory_space<semaphore_mem>>) src(%dma_wait3A_439 : memref<100000x128xf32, #tpu.memory_space<hbm>>) dst(%arg12 : memref<80x128xf32, #tpu.memory_space<vmem>>)
      %mul3A_440 = arith.constant 80 : i32
      %mul3A_441 = arith.muli %add3A_400, %mul3A_440 : i32
      %add3A_442 = arith.addi %mul3A_2, %mul3A_441 : i32
      %dma_start3A_443 = arith.constant 0 : i32
      %dma_start3A_444 = tpu.memref_slice %arg5[%add3A_442, %dma_start3A_443] : memref<819200x128xf32, #tpu.memory_space<hbm>> -> memref<80x128xf32, #tpu.memory_space<hbm>>
      %dma_start3A_445 = arith.constant 0 : i32
      %dma_start3A_446 = tpu.memref_slice %arg5[%add3A_442, %dma_start3A_445] : memref<819200x128xf32, #tpu.memory_space<hbm>> -> memref<80x128xf32, #tpu.memory_space<hbm>>
      tpu.enqueue_dma source(%arg12 : memref<80x128xf32, #tpu.memory_space<vmem>>) target(%dma_start3A_446 : memref<80x128xf32, #tpu.memory_space<hbm>>) target_semaphore(%arg27 : memref<!tpu.dma_semaphore, #tpu.memory_space<semaphore_mem>>)
      %add3A_447 = arith.constant 3 : i32
      %add3A_448 = arith.addi %add3A_400, %add3A_447 : i32
      %dma_wait3A_449 = arith.constant 0 : i32
      %dma_wait3A_450 = arith.constant 0 : i32
      %dma_wait3A_451 = tpu.memref_slice %arg10[%dma_wait3A_449, %dma_wait3A_450] : memref<80x128xf32, #tpu.memory_space<vmem>> -> memref<40x128xf32, #tpu.memory_space<vmem>>
      %dma_wait3A_452 = arith.constant 160 : i32
      %dma_wait3A_453 = arith.constant 0 : i32
      %dma_wait3A_454 = tpu.memref_slice %arg6[%dma_wait3A_452, %dma_wait3A_453] : memref<200x128xf32, #tpu.memory_space<vmem_shared>> -> memref<40x128xf32, #tpu.memory_space<vmem_shared>>
      %dma_wait3A_455 = arith.constant 0 : i32
      %dma_wait3A_456 = arith.constant 0 : i32
      %dma_wait3A_457 = tpu.memref_slice %arg10[%dma_wait3A_455, %dma_wait3A_456] : memref<80x128xf32, #tpu.memory_space<vmem>> -> memref<40x128xf32, #tpu.memory_space<vmem>>
      %dma_wait3A_458 = arith.constant 160 : i32
      %dma_wait3A_459 = arith.constant 0 : i32
      %dma_wait3A_460 = tpu.memref_slice %arg6[%dma_wait3A_458, %dma_wait3A_459] : memref<200x128xf32, #tpu.memory_space<vmem_shared>> -> memref<40x128xf32, #tpu.memory_space<vmem_shared>>
      tpu.wait_dma2 semaphore(%arg15 : memref<!tpu.dma_semaphore, #tpu.memory_space<semaphore_mem>>) src(%dma_wait3A_460 : memref<40x128xf32, #tpu.memory_space<vmem_shared>>) dst(%dma_wait3A_457 : memref<40x128xf32, #tpu.memory_space<vmem>>)
      %dma_wait3A_461 = arith.constant 40 : i32
      %dma_wait3A_462 = arith.constant 0 : i32
      %dma_wait3A_463 = tpu.memref_slice %arg10[%dma_wait3A_461, %dma_wait3A_462] : memref<80x128xf32, #tpu.memory_space<vmem>> -> memref<40x128xf32, #tpu.memory_space<vmem>>
      %dma_wait3A_464 = arith.constant 0 : i32
      %dma_wait3A_465 = arith.constant 0 : i32
      %dma_wait3A_466 = tpu.memref_slice %arg6[%dma_wait3A_464, %dma_wait3A_465] : memref<200x128xf32, #tpu.memory_space<vmem_shared>> -> memref<40x128xf32, #tpu.memory_space<vmem_shared>>
      %dma_wait3A_467 = arith.constant 40 : i32
      %dma_wait3A_468 = arith.constant 0 : i32
      %dma_wait3A_469 = tpu.memref_slice %arg10[%dma_wait3A_467, %dma_wait3A_468] : memref<80x128xf32, #tpu.memory_space<vmem>> -> memref<40x128xf32, #tpu.memory_space<vmem>>
      %dma_wait3A_470 = arith.constant 0 : i32
      %dma_wait3A_471 = arith.constant 0 : i32
      %dma_wait3A_472 = tpu.memref_slice %arg6[%dma_wait3A_470, %dma_wait3A_471] : memref<200x128xf32, #tpu.memory_space<vmem_shared>> -> memref<40x128xf32, #tpu.memory_space<vmem_shared>>
      tpu.wait_dma2 semaphore(%arg15 : memref<!tpu.dma_semaphore, #tpu.memory_space<semaphore_mem>>) src(%dma_wait3A_472 : memref<40x128xf32, #tpu.memory_space<vmem_shared>>) dst(%dma_wait3A_469 : memref<40x128xf32, #tpu.memory_space<vmem>>)
      %dma_start3A_473 = arith.constant 0 : i32
      %dma_start3A_474 = tpu.memref_slice %arg7[%add3A_448, %dma_start3A_473] : memref<320x80xi32, #tpu.memory_space<vmem>> -> memref<1x80xi32, #tpu.memory_space<vmem>>
      %dma_start3A_475 = tpu.memref_squeeze %dma_start3A_474 : memref<1x80xi32, #tpu.memory_space<vmem>> -> memref<80xi32, #tpu.memory_space<vmem>>
      %dma_start3A_476 = arith.constant 0 : i32
      %dma_start3A_477 = arith.constant 0 : i32
      %dma_start3A_478 = tpu.memref_slice %arg3[%dma_start3A_476, %dma_start3A_477] : memref<100000x128xf32, #tpu.memory_space<hbm>> -> memref<100000x128xf32, #tpu.memory_space<hbm>>
      tpu.enqueue_indirect_dma source(%dma_start3A_478 : memref<100000x128xf32, #tpu.memory_space<hbm>>) target(%arg10 : memref<80x128xf32, #tpu.memory_space<vmem>>) offsets(%dma_start3A_475 : memref<80xi32, #tpu.memory_space<vmem>>) semaphore(%arg20 : memref<!tpu.dma_semaphore, #tpu.memory_space<semaphore_mem>>) {add = true}
      %add3A_479 = arith.constant 3 : i32
      %add3A_480 = arith.addi %add3A_287, %add3A_479 : i32
      %sub3A_481 = arith.constant 2 : i32
      %sub3A_482 = arith.subi %add3A_480, %sub3A_481 : i32
      %mul3A_483 = arith.constant 80 : i32
      %mul3A_484 = arith.muli %sub3A_482, %mul3A_483 : i32
      %add3A_485 = arith.addi %mul3A_2, %mul3A_484 : i32
      %dma_wait3A_486 = arith.constant 0 : i32
      %dma_wait3A_487 = tpu.memref_slice %arg5[%add3A_485, %dma_wait3A_486] : memref<819200x128xf32, #tpu.memory_space<hbm>> -> memref<80x128xf32, #tpu.memory_space<hbm>>
      %dma_wait3A_488 = arith.constant 0 : i32
      %dma_wait3A_489 = tpu.memref_slice %arg5[%add3A_485, %dma_wait3A_488] : memref<819200x128xf32, #tpu.memory_space<hbm>> -> memref<80x128xf32, #tpu.memory_space<hbm>>
      tpu.wait_dma2 semaphore(%arg26 : memref<!tpu.dma_semaphore, #tpu.memory_space<semaphore_mem>>) src(%arg11 : memref<80x128xf32, #tpu.memory_space<vmem>>) dst(%dma_wait3A_489 : memref<80x128xf32, #tpu.memory_space<hbm>>)
      %dma_start3A_490 = arith.constant 0 : i32
      %dma_start3A_491 = arith.constant 0 : i32
      %dma_start3A_492 = tpu.memref_slice %arg11[%dma_start3A_490, %dma_start3A_491] : memref<80x128xf32, #tpu.memory_space<vmem>> -> memref<80x128xf32, #tpu.memory_space<vmem>>
      %dma_start3A_493 = arith.constant 40 : i32
      %dma_start3A_494 = arith.constant 0 : i32
      %dma_start3A_495 = tpu.memref_slice %arg6[%dma_start3A_493, %dma_start3A_494] : memref<200x128xf32, #tpu.memory_space<vmem_shared>> -> memref<80x128xf32, #tpu.memory_space<vmem_shared>>
      %dma_start3A_496 = arith.constant 0 : i32
      %dma_start3A_497 = arith.constant 0 : i32
      %dma_start3A_498 = tpu.memref_slice %arg11[%dma_start3A_496, %dma_start3A_497] : memref<80x128xf32, #tpu.memory_space<vmem>> -> memref<80x128xf32, #tpu.memory_space<vmem>>
      %dma_start3A_499 = arith.constant 40 : i32
      %dma_start3A_500 = arith.constant 0 : i32
      %dma_start3A_501 = tpu.memref_slice %arg6[%dma_start3A_499, %dma_start3A_500] : memref<200x128xf32, #tpu.memory_space<vmem_shared>> -> memref<80x128xf32, #tpu.memory_space<vmem_shared>>
      tpu.enqueue_dma source(%dma_start3A_501 : memref<80x128xf32, #tpu.memory_space<vmem_shared>>) target(%dma_start3A_498 : memref<80x128xf32, #tpu.memory_space<vmem>>) target_semaphore(%arg16 : memref<!tpu.dma_semaphore, #tpu.memory_space<semaphore_mem>>)
      %dma_wait3A_502 = arith.constant 0 : i32
      %dma_wait3A_503 = tpu.memref_slice %arg7[%add3A_480, %dma_wait3A_502] : memref<320x80xi32, #tpu.memory_space<vmem>> -> memref<1x80xi32, #tpu.memory_space<vmem>>
      %dma_wait3A_504 = tpu.memref_squeeze %dma_wait3A_503 : memref<1x80xi32, #tpu.memory_space<vmem>> -> memref<80xi32, #tpu.memory_space<vmem>>
      %dma_wait3A_505 = arith.constant 0 : i32
      %dma_wait3A_506 = arith.constant 0 : i32
      %dma_wait3A_507 = tpu.memref_slice %arg3[%dma_wait3A_505, %dma_wait3A_506] : memref<100000x128xf32, #tpu.memory_space<hbm>> -> memref<100000x128xf32, #tpu.memory_space<hbm>>
      tpu.wait_indirect_dma semaphore(%arg18 : memref<!tpu.dma_semaphore, #tpu.memory_space<semaphore_mem>>) src(%dma_wait3A_507 : memref<100000x128xf32, #tpu.memory_space<hbm>>) dst(%arg8 : memref<80x128xf32, #tpu.memory_space<vmem>>)
      %mul3A_508 = arith.constant 80 : i32
      %mul3A_509 = arith.muli %add3A_480, %mul3A_508 : i32
      %add3A_510 = arith.addi %mul3A_2, %mul3A_509 : i32
      %dma_start3A_511 = arith.constant 0 : i32
      %dma_start3A_512 = tpu.memref_slice %arg5[%add3A_510, %dma_start3A_511] : memref<819200x128xf32, #tpu.memory_space<hbm>> -> memref<80x128xf32, #tpu.memory_space<hbm>>
      %dma_start3A_513 = arith.constant 0 : i32
      %dma_start3A_514 = tpu.memref_slice %arg5[%add3A_510, %dma_start3A_513] : memref<819200x128xf32, #tpu.memory_space<hbm>> -> memref<80x128xf32, #tpu.memory_space<hbm>>
      tpu.enqueue_dma source(%arg8 : memref<80x128xf32, #tpu.memory_space<vmem>>) target(%dma_start3A_514 : memref<80x128xf32, #tpu.memory_space<hbm>>) target_semaphore(%arg23 : memref<!tpu.dma_semaphore, #tpu.memory_space<semaphore_mem>>)
      %add3A_515 = arith.constant 3 : i32
      %add3A_516 = arith.addi %add3A_480, %add3A_515 : i32
      %dma_wait3A_517 = arith.constant 0 : i32
      %dma_wait3A_518 = arith.constant 0 : i32
      %dma_wait3A_519 = tpu.memref_slice %arg11[%dma_wait3A_517, %dma_wait3A_518] : memref<80x128xf32, #tpu.memory_space<vmem>> -> memref<80x128xf32, #tpu.memory_space<vmem>>
      %dma_wait3A_520 = arith.constant 40 : i32
      %dma_wait3A_521 = arith.constant 0 : i32
      %dma_wait3A_522 = tpu.memref_slice %arg6[%dma_wait3A_520, %dma_wait3A_521] : memref<200x128xf32, #tpu.memory_space<vmem_shared>> -> memref<80x128xf32, #tpu.memory_space<vmem_shared>>
      %dma_wait3A_523 = arith.constant 0 : i32
      %dma_wait3A_524 = arith.constant 0 : i32
      %dma_wait3A_525 = tpu.memref_slice %arg11[%dma_wait3A_523, %dma_wait3A_524] : memref<80x128xf32, #tpu.memory_space<vmem>> -> memref<80x128xf32, #tpu.memory_space<vmem>>
      %dma_wait3A_526 = arith.constant 40 : i32
      %dma_wait3A_527 = arith.constant 0 : i32
      %dma_wait3A_528 = tpu.memref_slice %arg6[%dma_wait3A_526, %dma_wait3A_527] : memref<200x128xf32, #tpu.memory_space<vmem_shared>> -> memref<80x128xf32, #tpu.memory_space<vmem_shared>>
      tpu.wait_dma2 semaphore(%arg16 : memref<!tpu.dma_semaphore, #tpu.memory_space<semaphore_mem>>) src(%dma_wait3A_528 : memref<80x128xf32, #tpu.memory_space<vmem_shared>>) dst(%dma_wait3A_525 : memref<80x128xf32, #tpu.memory_space<vmem>>)
      %dma_start3A_529 = arith.constant 0 : i32
      %dma_start3A_530 = tpu.memref_slice %arg7[%add3A_516, %dma_start3A_529] : memref<320x80xi32, #tpu.memory_space<vmem>> -> memref<1x80xi32, #tpu.memory_space<vmem>>
      %dma_start3A_531 = tpu.memref_squeeze %dma_start3A_530 : memref<1x80xi32, #tpu.memory_space<vmem>> -> memref<80xi32, #tpu.memory_space<vmem>>
      %dma_start3A_532 = arith.constant 0 : i32
      %dma_start3A_533 = arith.constant 0 : i32
      %dma_start3A_534 = tpu.memref_slice %arg3[%dma_start3A_532, %dma_start3A_533] : memref<100000x128xf32, #tpu.memory_space<hbm>> -> memref<100000x128xf32, #tpu.memory_space<hbm>>
      tpu.enqueue_indirect_dma source(%dma_start3A_534 : memref<100000x128xf32, #tpu.memory_space<hbm>>) target(%arg11 : memref<80x128xf32, #tpu.memory_space<vmem>>) offsets(%dma_start3A_531 : memref<80xi32, #tpu.memory_space<vmem>>) semaphore(%arg21 : memref<!tpu.dma_semaphore, #tpu.memory_space<semaphore_mem>>) {add = true}
      %add3A_535 = arith.constant 4 : i32
      %add3A_536 = arith.addi %add3A_287, %add3A_535 : i32
      %sub3A_537 = arith.constant 2 : i32
      %sub3A_538 = arith.subi %add3A_536, %sub3A_537 : i32
      %mul3A_539 = arith.constant 80 : i32
      %mul3A_540 = arith.muli %sub3A_538, %mul3A_539 : i32
      %add3A_541 = arith.addi %mul3A_2, %mul3A_540 : i32
      %dma_wait3A_542 = arith.constant 0 : i32
      %dma_wait3A_543 = tpu.memref_slice %arg5[%add3A_541, %dma_wait3A_542] : memref<819200x128xf32, #tpu.memory_space<hbm>> -> memref<80x128xf32, #tpu.memory_space<hbm>>
      %dma_wait3A_544 = arith.constant 0 : i32
      %dma_wait3A_545 = tpu.memref_slice %arg5[%add3A_541, %dma_wait3A_544] : memref<819200x128xf32, #tpu.memory_space<hbm>> -> memref<80x128xf32, #tpu.memory_space<hbm>>
      tpu.wait_dma2 semaphore(%arg27 : memref<!tpu.dma_semaphore, #tpu.memory_space<semaphore_mem>>) src(%arg12 : memref<80x128xf32, #tpu.memory_space<vmem>>) dst(%dma_wait3A_545 : memref<80x128xf32, #tpu.memory_space<hbm>>)
      %dma_start3A_546 = arith.constant 0 : i32
      %dma_start3A_547 = arith.constant 0 : i32
      %dma_start3A_548 = tpu.memref_slice %arg12[%dma_start3A_546, %dma_start3A_547] : memref<80x128xf32, #tpu.memory_space<vmem>> -> memref<80x128xf32, #tpu.memory_space<vmem>>
      %dma_start3A_549 = arith.constant 120 : i32
      %dma_start3A_550 = arith.constant 0 : i32
      %dma_start3A_551 = tpu.memref_slice %arg6[%dma_start3A_549, %dma_start3A_550] : memref<200x128xf32, #tpu.memory_space<vmem_shared>> -> memref<80x128xf32, #tpu.memory_space<vmem_shared>>
      %dma_start3A_552 = arith.constant 0 : i32
      %dma_start3A_553 = arith.constant 0 : i32
      %dma_start3A_554 = tpu.memref_slice %arg12[%dma_start3A_552, %dma_start3A_553] : memref<80x128xf32, #tpu.memory_space<vmem>> -> memref<80x128xf32, #tpu.memory_space<vmem>>
      %dma_start3A_555 = arith.constant 120 : i32
      %dma_start3A_556 = arith.constant 0 : i32
      %dma_start3A_557 = tpu.memref_slice %arg6[%dma_start3A_555, %dma_start3A_556] : memref<200x128xf32, #tpu.memory_space<vmem_shared>> -> memref<80x128xf32, #tpu.memory_space<vmem_shared>>
      tpu.enqueue_dma source(%dma_start3A_557 : memref<80x128xf32, #tpu.memory_space<vmem_shared>>) target(%dma_start3A_554 : memref<80x128xf32, #tpu.memory_space<vmem>>) target_semaphore(%arg17 : memref<!tpu.dma_semaphore, #tpu.memory_space<semaphore_mem>>)
      %dma_wait3A_558 = arith.constant 0 : i32
      %dma_wait3A_559 = tpu.memref_slice %arg7[%add3A_536, %dma_wait3A_558] : memref<320x80xi32, #tpu.memory_space<vmem>> -> memref<1x80xi32, #tpu.memory_space<vmem>>
      %dma_wait3A_560 = tpu.memref_squeeze %dma_wait3A_559 : memref<1x80xi32, #tpu.memory_space<vmem>> -> memref<80xi32, #tpu.memory_space<vmem>>
      %dma_wait3A_561 = arith.constant 0 : i32
      %dma_wait3A_562 = arith.constant 0 : i32
      %dma_wait3A_563 = tpu.memref_slice %arg3[%dma_wait3A_561, %dma_wait3A_562] : memref<100000x128xf32, #tpu.memory_space<hbm>> -> memref<100000x128xf32, #tpu.memory_space<hbm>>
      tpu.wait_indirect_dma semaphore(%arg19 : memref<!tpu.dma_semaphore, #tpu.memory_space<semaphore_mem>>) src(%dma_wait3A_563 : memref<100000x128xf32, #tpu.memory_space<hbm>>) dst(%arg9 : memref<80x128xf32, #tpu.memory_space<vmem>>)
      %mul3A_564 = arith.constant 80 : i32
      %mul3A_565 = arith.muli %add3A_536, %mul3A_564 : i32
      %add3A_566 = arith.addi %mul3A_2, %mul3A_565 : i32
      %dma_start3A_567 = arith.constant 0 : i32
      %dma_start3A_568 = tpu.memref_slice %arg5[%add3A_566, %dma_start3A_567] : memref<819200x128xf32, #tpu.memory_space<hbm>> -> memref<80x128xf32, #tpu.memory_space<hbm>>
      %dma_start3A_569 = arith.constant 0 : i32
      %dma_start3A_570 = tpu.memref_slice %arg5[%add3A_566, %dma_start3A_569] : memref<819200x128xf32, #tpu.memory_space<hbm>> -> memref<80x128xf32, #tpu.memory_space<hbm>>
      tpu.enqueue_dma source(%arg9 : memref<80x128xf32, #tpu.memory_space<vmem>>) target(%dma_start3A_570 : memref<80x128xf32, #tpu.memory_space<hbm>>) target_semaphore(%arg24 : memref<!tpu.dma_semaphore, #tpu.memory_space<semaphore_mem>>)
      %add3A_571 = arith.constant 3 : i32
      %add3A_572 = arith.addi %add3A_536, %add3A_571 : i32
      %dma_wait3A_573 = arith.constant 0 : i32
      %dma_wait3A_574 = arith.constant 0 : i32
      %dma_wait3A_575 = tpu.memref_slice %arg12[%dma_wait3A_573, %dma_wait3A_574] : memref<80x128xf32, #tpu.memory_space<vmem>> -> memref<80x128xf32, #tpu.memory_space<vmem>>
      %dma_wait3A_576 = arith.constant 120 : i32
      %dma_wait3A_577 = arith.constant 0 : i32
      %dma_wait3A_578 = tpu.memref_slice %arg6[%dma_wait3A_576, %dma_wait3A_577] : memref<200x128xf32, #tpu.memory_space<vmem_shared>> -> memref<80x128xf32, #tpu.memory_space<vmem_shared>>
      %dma_wait3A_579 = arith.constant 0 : i32
      %dma_wait3A_580 = arith.constant 0 : i32
      %dma_wait3A_581 = tpu.memref_slice %arg12[%dma_wait3A_579, %dma_wait3A_580] : memref<80x128xf32, #tpu.memory_space<vmem>> -> memref<80x128xf32, #tpu.memory_space<vmem>>
      %dma_wait3A_582 = arith.constant 120 : i32
      %dma_wait3A_583 = arith.constant 0 : i32
      %dma_wait3A_584 = tpu.memref_slice %arg6[%dma_wait3A_582, %dma_wait3A_583] : memref<200x128xf32, #tpu.memory_space<vmem_shared>> -> memref<80x128xf32, #tpu.memory_space<vmem_shared>>
      tpu.wait_dma2 semaphore(%arg17 : memref<!tpu.dma_semaphore, #tpu.memory_space<semaphore_mem>>) src(%dma_wait3A_584 : memref<80x128xf32, #tpu.memory_space<vmem_shared>>) dst(%dma_wait3A_581 : memref<80x128xf32, #tpu.memory_space<vmem>>)
      %dma_start3A_585 = arith.constant 0 : i32
      %dma_start3A_586 = tpu.memref_slice %arg7[%add3A_572, %dma_start3A_585] : memref<320x80xi32, #tpu.memory_space<vmem>> -> memref<1x80xi32, #tpu.memory_space<vmem>>
      %dma_start3A_587 = tpu.memref_squeeze %dma_start3A_586 : memref<1x80xi32, #tpu.memory_space<vmem>> -> memref<80xi32, #tpu.memory_space<vmem>>
      %dma_start3A_588 = arith.constant 0 : i32
      %dma_start3A_589 = arith.constant 0 : i32
      %dma_start3A_590 = tpu.memref_slice %arg3[%dma_start3A_588, %dma_start3A_589] : memref<100000x128xf32, #tpu.memory_space<hbm>> -> memref<100000x128xf32, #tpu.memory_space<hbm>>
      tpu.enqueue_indirect_dma source(%dma_start3A_590 : memref<100000x128xf32, #tpu.memory_space<hbm>>) target(%arg12 : memref<80x128xf32, #tpu.memory_space<vmem>>) offsets(%dma_start3A_587 : memref<80xi32, #tpu.memory_space<vmem>>) semaphore(%arg22 : memref<!tpu.dma_semaphore, #tpu.memory_space<semaphore_mem>>) {add = true}
    }
    %scan3A_213 = arith.constant 63 : i32
    %dma_wait3A_214 = arith.constant 317 : i32
    %dma_wait3A_215 = arith.constant 0 : i32
    %dma_wait3A_216 = tpu.memref_slice %arg7[%dma_wait3A_214, %dma_wait3A_215] : memref<320x80xi32, #tpu.memory_space<vmem>> -> memref<1x80xi32, #tpu.memory_space<vmem>>
    %dma_wait3A_217 = tpu.memref_squeeze %dma_wait3A_216 : memref<1x80xi32, #tpu.memory_space<vmem>> -> memref<80xi32, #tpu.memory_space<vmem>>
    %dma_wait3A_218 = arith.constant 0 : i32
    %dma_wait3A_219 = arith.constant 0 : i32
    %dma_wait3A_220 = tpu.memref_slice %arg3[%dma_wait3A_218, %dma_wait3A_219] : memref<100000x128xf32, #tpu.memory_space<hbm>> -> memref<100000x128xf32, #tpu.memory_space<hbm>>
    tpu.wait_indirect_dma semaphore(%arg20 : memref<!tpu.dma_semaphore, #tpu.memory_space<semaphore_mem>>) src(%dma_wait3A_220 : memref<100000x128xf32, #tpu.memory_space<hbm>>) dst(%arg10 : memref<80x128xf32, #tpu.memory_space<vmem>>)
    %add3A_221 = arith.constant 25360 : i32
    %add3A_222 = arith.addi %mul3A_2, %add3A_221 : i32
    %dma_start3A_223 = arith.constant 0 : i32
    %dma_start3A_224 = tpu.memref_slice %arg5[%add3A_222, %dma_start3A_223] : memref<819200x128xf32, #tpu.memory_space<hbm>> -> memref<80x128xf32, #tpu.memory_space<hbm>>
    %dma_start3A_225 = arith.constant 0 : i32
    %dma_start3A_226 = tpu.memref_slice %arg5[%add3A_222, %dma_start3A_225] : memref<819200x128xf32, #tpu.memory_space<hbm>> -> memref<80x128xf32, #tpu.memory_space<hbm>>
    tpu.enqueue_dma source(%arg10 : memref<80x128xf32, #tpu.memory_space<vmem>>) target(%dma_start3A_226 : memref<80x128xf32, #tpu.memory_space<hbm>>) target_semaphore(%arg25 : memref<!tpu.dma_semaphore, #tpu.memory_space<semaphore_mem>>)
    %dma_wait3A_227 = arith.constant 318 : i32
    %dma_wait3A_228 = arith.constant 0 : i32
    %dma_wait3A_229 = tpu.memref_slice %arg7[%dma_wait3A_227, %dma_wait3A_228] : memref<320x80xi32, #tpu.memory_space<vmem>> -> memref<1x80xi32, #tpu.memory_space<vmem>>
    %dma_wait3A_230 = tpu.memref_squeeze %dma_wait3A_229 : memref<1x80xi32, #tpu.memory_space<vmem>> -> memref<80xi32, #tpu.memory_space<vmem>>
    %dma_wait3A_231 = arith.constant 0 : i32
    %dma_wait3A_232 = arith.constant 0 : i32
    %dma_wait3A_233 = tpu.memref_slice %arg3[%dma_wait3A_231, %dma_wait3A_232] : memref<100000x128xf32, #tpu.memory_space<hbm>> -> memref<100000x128xf32, #tpu.memory_space<hbm>>
    tpu.wait_indirect_dma semaphore(%arg21 : memref<!tpu.dma_semaphore, #tpu.memory_space<semaphore_mem>>) src(%dma_wait3A_233 : memref<100000x128xf32, #tpu.memory_space<hbm>>) dst(%arg11 : memref<80x128xf32, #tpu.memory_space<vmem>>)
    %add3A_234 = arith.constant 25440 : i32
    %add3A_235 = arith.addi %mul3A_2, %add3A_234 : i32
    %dma_start3A_236 = arith.constant 0 : i32
    %dma_start3A_237 = tpu.memref_slice %arg5[%add3A_235, %dma_start3A_236] : memref<819200x128xf32, #tpu.memory_space<hbm>> -> memref<80x128xf32, #tpu.memory_space<hbm>>
    %dma_start3A_238 = arith.constant 0 : i32
    %dma_start3A_239 = tpu.memref_slice %arg5[%add3A_235, %dma_start3A_238] : memref<819200x128xf32, #tpu.memory_space<hbm>> -> memref<80x128xf32, #tpu.memory_space<hbm>>
    tpu.enqueue_dma source(%arg11 : memref<80x128xf32, #tpu.memory_space<vmem>>) target(%dma_start3A_239 : memref<80x128xf32, #tpu.memory_space<hbm>>) target_semaphore(%arg26 : memref<!tpu.dma_semaphore, #tpu.memory_space<semaphore_mem>>)
    %dma_wait3A_240 = arith.constant 319 : i32
    %dma_wait3A_241 = arith.constant 0 : i32
    %dma_wait3A_242 = tpu.memref_slice %arg7[%dma_wait3A_240, %dma_wait3A_241] : memref<320x80xi32, #tpu.memory_space<vmem>> -> memref<1x80xi32, #tpu.memory_space<vmem>>
    %dma_wait3A_243 = tpu.memref_squeeze %dma_wait3A_242 : memref<1x80xi32, #tpu.memory_space<vmem>> -> memref<80xi32, #tpu.memory_space<vmem>>
    %dma_wait3A_244 = arith.constant 0 : i32
    %dma_wait3A_245 = arith.constant 0 : i32
    %dma_wait3A_246 = tpu.memref_slice %arg3[%dma_wait3A_244, %dma_wait3A_245] : memref<100000x128xf32, #tpu.memory_space<hbm>> -> memref<100000x128xf32, #tpu.memory_space<hbm>>
    tpu.wait_indirect_dma semaphore(%arg22 : memref<!tpu.dma_semaphore, #tpu.memory_space<semaphore_mem>>) src(%dma_wait3A_246 : memref<100000x128xf32, #tpu.memory_space<hbm>>) dst(%arg12 : memref<80x128xf32, #tpu.memory_space<vmem>>)
    %add3A_247 = arith.constant 25520 : i32
    %add3A_248 = arith.addi %mul3A_2, %add3A_247 : i32
    %dma_start3A_249 = arith.constant 0 : i32
    %dma_start3A_250 = tpu.memref_slice %arg5[%add3A_248, %dma_start3A_249] : memref<819200x128xf32, #tpu.memory_space<hbm>> -> memref<80x128xf32, #tpu.memory_space<hbm>>
    %dma_start3A_251 = arith.constant 0 : i32
    %dma_start3A_252 = tpu.memref_slice %arg5[%add3A_248, %dma_start3A_251] : memref<819200x128xf32, #tpu.memory_space<hbm>> -> memref<80x128xf32, #tpu.memory_space<hbm>>
    tpu.enqueue_dma source(%arg12 : memref<80x128xf32, #tpu.memory_space<vmem>>) target(%dma_start3A_252 : memref<80x128xf32, #tpu.memory_space<hbm>>) target_semaphore(%arg27 : memref<!tpu.dma_semaphore, #tpu.memory_space<semaphore_mem>>)
    %add3A_253 = arith.constant 25200 : i32
    %add3A_254 = arith.addi %mul3A_2, %add3A_253 : i32
    %dma_wait3A_255 = arith.constant 0 : i32
    %dma_wait3A_256 = tpu.memref_slice %arg5[%add3A_254, %dma_wait3A_255] : memref<819200x128xf32, #tpu.memory_space<hbm>> -> memref<80x128xf32, #tpu.memory_space<hbm>>
    %dma_wait3A_257 = arith.constant 0 : i32
    %dma_wait3A_258 = tpu.memref_slice %arg5[%add3A_254, %dma_wait3A_257] : memref<819200x128xf32, #tpu.memory_space<hbm>> -> memref<80x128xf32, #tpu.memory_space<hbm>>
    tpu.wait_dma2 semaphore(%arg23 : memref<!tpu.dma_semaphore, #tpu.memory_space<semaphore_mem>>) src(%arg8 : memref<80x128xf32, #tpu.memory_space<vmem>>) dst(%dma_wait3A_258 : memref<80x128xf32, #tpu.memory_space<hbm>>)
    %add3A_259 = arith.constant 25280 : i32
    %add3A_260 = arith.addi %mul3A_2, %add3A_259 : i32
    %dma_wait3A_261 = arith.constant 0 : i32
    %dma_wait3A_262 = tpu.memref_slice %arg5[%add3A_260, %dma_wait3A_261] : memref<819200x128xf32, #tpu.memory_space<hbm>> -> memref<80x128xf32, #tpu.memory_space<hbm>>
    %dma_wait3A_263 = arith.constant 0 : i32
    %dma_wait3A_264 = tpu.memref_slice %arg5[%add3A_260, %dma_wait3A_263] : memref<819200x128xf32, #tpu.memory_space<hbm>> -> memref<80x128xf32, #tpu.memory_space<hbm>>
    tpu.wait_dma2 semaphore(%arg24 : memref<!tpu.dma_semaphore, #tpu.memory_space<semaphore_mem>>) src(%arg9 : memref<80x128xf32, #tpu.memory_space<vmem>>) dst(%dma_wait3A_264 : memref<80x128xf32, #tpu.memory_space<hbm>>)
    %add3A_265 = arith.constant 25360 : i32
    %add3A_266 = arith.addi %mul3A_2, %add3A_265 : i32
    %dma_wait3A_267 = arith.constant 0 : i32
    %dma_wait3A_268 = tpu.memref_slice %arg5[%add3A_266, %dma_wait3A_267] : memref<819200x128xf32, #tpu.memory_space<hbm>> -> memref<80x128xf32, #tpu.memory_space<hbm>>
    %dma_wait3A_269 = arith.constant 0 : i32
    %dma_wait3A_270 = tpu.memref_slice %arg5[%add3A_266, %dma_wait3A_269] : memref<819200x128xf32, #tpu.memory_space<hbm>> -> memref<80x128xf32, #tpu.memory_space<hbm>>
    tpu.wait_dma2 semaphore(%arg25 : memref<!tpu.dma_semaphore, #tpu.memory_space<semaphore_mem>>) src(%arg10 : memref<80x128xf32, #tpu.memory_space<vmem>>) dst(%dma_wait3A_270 : memref<80x128xf32, #tpu.memory_space<hbm>>)
    %add3A_271 = arith.constant 25440 : i32
    %add3A_272 = arith.addi %mul3A_2, %add3A_271 : i32
    %dma_wait3A_273 = arith.constant 0 : i32
    %dma_wait3A_274 = tpu.memref_slice %arg5[%add3A_272, %dma_wait3A_273] : memref<819200x128xf32, #tpu.memory_space<hbm>> -> memref<80x128xf32, #tpu.memory_space<hbm>>
    %dma_wait3A_275 = arith.constant 0 : i32
    %dma_wait3A_276 = tpu.memref_slice %arg5[%add3A_272, %dma_wait3A_275] : memref<819200x128xf32, #tpu.memory_space<hbm>> -> memref<80x128xf32, #tpu.memory_space<hbm>>
    tpu.wait_dma2 semaphore(%arg26 : memref<!tpu.dma_semaphore, #tpu.memory_space<semaphore_mem>>) src(%arg11 : memref<80x128xf32, #tpu.memory_space<vmem>>) dst(%dma_wait3A_276 : memref<80x128xf32, #tpu.memory_space<hbm>>)
    %add3A_277 = arith.constant 25520 : i32
    %add3A_278 = arith.addi %mul3A_2, %add3A_277 : i32
    %dma_wait3A_279 = arith.constant 0 : i32
    %dma_wait3A_280 = tpu.memref_slice %arg5[%add3A_278, %dma_wait3A_279] : memref<819200x128xf32, #tpu.memory_space<hbm>> -> memref<80x128xf32, #tpu.memory_space<hbm>>
    %dma_wait3A_281 = arith.constant 0 : i32
    %dma_wait3A_282 = tpu.memref_slice %arg5[%add3A_278, %dma_wait3A_281] : memref<819200x128xf32, #tpu.memory_space<hbm>> -> memref<80x128xf32, #tpu.memory_space<hbm>>
    tpu.wait_dma2 semaphore(%arg27 : memref<!tpu.dma_semaphore, #tpu.memory_space<semaphore_mem>>) src(%arg12 : memref<80x128xf32, #tpu.memory_space<vmem>>) dst(%dma_wait3A_282 : memref<80x128xf32, #tpu.memory_space<hbm>>)
    return
  }
}

</mosaic_0001>

<sc_bundles>
// kernel: _embed_call.3.cloned.1.call-start
scs
__scs_entry_jumppad:
0x0: {  	(pc) =	sbr.rel $0x88, $3  }
0x1: {  	(tag) =	ssettag $0x0;
	lr =	simm.s32 $0x1  }
0x2: {  	[smem:$0x3F9E] =	sst lr;
	_ =	strace $0xD0000000  }
0x3: {  	_ = 	snop  }
0x4: {  	_ = 	snop  }
0x5: {  	_ = 	snop  }
0x6: {  	_ = 	snop  }
0x7: {  	_ = 	snop  }
__scs_overlays_trampoline_lowered:
0x8: {  	[smem:$0x3FAD] =	sst s0  }
0x9: {  	[smem:$0x3FAE] =	sst s1  }
0xa: {  	[smem:$0x3FAF] =	sst s2  }
0xb: {  	[smem:$0x3FB0] =	sst s3  }
0xc: {  	[smem:$0x3FB1] =	sst s4  }
0xd: {  	[smem:$0x3FB2] =	sst s5  }
0xe: {  	[smem:$0x3FB3] =	sst s6  }
0xf: {  	[smem:$0x3FB4] =	sst s7  }
0x10: {  	[smem:$0x3FB5] =	sst s8  }
0x11: {  	[smem:$0x3FB6] =	sst s9;
	s0 =	simm.s32 @!p0 $0x0  }
0x12: {  	s1 =	sld [smem:$0x3F9C];
	s0 =	simm.s32 @p0 $0x1  }
0x13: {  	[smem:$0x3FB7] =	sst s0;
	s0 =	simm.s32 @!p1 $0x0  }
0x14: {  	s2 =	sld [smem:$0x3F9B];
	s0 =	simm.s32 @p1 $0x1  }
0x15: {  	[smem:$0x3FB8] =	sst s0;
	s0 =	simm.s32 @!p2 $0x0  }
0x16: {  	s3 =	sld [smem:$0x3FDB];
	s0 =	simm.s32 @p2 $0x1  }
0x17: {  	s4 =	simm.s32 $0x1BF5;
	[smem:$0x3FBA] =	sst s0  }
0x18: {  	s0 =	sld [smem:$0x3F9D];
	_ =	swait.ge [sflag:s4], $0x0  }
0x19: {  	s7 =	sld [smem:$0x3F9E]  }
0x1a: {  	s8 =	sadd.s32 $0xFFFFE003, lr  }
0x1b: {  	s9 =	sadd.s32 $0xFFFFFEF7, lr;
	s5 =	simm.s32 $0xFFFFFFFF;
	p2 =	slt.u32 s8, $0xFFFFF086  }
0x1c: {  	p1 =	slt.u32 s9, $0xF7A;
	s5 =	simm.s32 @!p2 $0x0  }
0x1d: {  	s5 =	simm.s32 @p1 $0x1;
	p0 =	seq.s32 s7, s2  }
0x1e: {  	s7 =	smul.u32 @!p0 $0xF7A, s2;
	p2 =	seq.s32 @!p0 s5, $0x0  }
0x1f: {  	s9 =	smul.u32 $0xF7A, s1;
	s8 =	simm.s32 @!p0 $0x1BF5;
	p2 =	por !p2, p0  }
0x20: {  	[sflag:s8] =	ssyncset.s32 @!p0 $0xFFFFF086;
	s6 =	sadd.s32 @!p0 s3, s7;
	s7 =	simm.s32 @!p0 $0x108  }
0x21: {  	s3 =	sadd.s32 s3, s9;
	s6 =	sadd.s32 @!p0 $0x88, s6;
	s7 =	simm.s32 @p2 $0x1082  }
0x22: {  	[simem:s7], [sflag:s8] =	dma.local @!p0 [hbm:s6], $0xF7A  }
0x23: {  	s9 =	sor.u32 $0xD0000000, s2;
	s6 =	simm.s32 $0x108;
	_ =	swait.ge @!p0 [sflag:s8], $0x0  }
0x24: {  	s3 =	sadd.s32 $0x88, s3;
	s6 =	simm.s32 @!p1 $0x1082;
	[sflag:s4] =	ssyncset.s32 $0xFFFFF086  }
0x25: {  	[simem:s6], [sflag:s4] =	dma.local [hbm:s3], $0xF7A  }
0x26: {  	[smem:$0x3F9E] =	sst s1;
	(tag) =	ssettag s2;
	_ =	strace s9  }
0x27: {  	s1 =	sld [smem:$0x3FAE]  }
0x28: {  	s2 =	sld [smem:$0x3FAF]  }
0x29: {  	s4 =	sld [smem:$0x3FB1]  }
0x2a: {  	p0 =	seq.s32 s5, $0x0;
	s5 =	sld [smem:$0x3FB2]  }
0x2b: {  	s6 =	sld [smem:$0x3FB3]  }
0x2c: {  	s7 =	sld [smem:$0x3FB4]  }
0x2d: {  	s3 =	simm.s32 $0x108;
	s8 =	sld [smem:$0x3FB5]  }
0x2e: {  	s3 =	simm.s32 @!p0 $0x1082;
	s9 =	sld [smem:$0x3FB6]  }
0x2f: {  	lr =	sadd.s32 s0, s3;
	s0 =	sld [smem:$0x3FAD]  }
0x30: {  	s3 =	sld [smem:$0x3FB0]  }
0x31: {  	[smem:$0x3FB9] =	sst s10  }
0x32: {  	s10 =	sld [smem:$0x3FB7];
	_ =	sdelay $0x3  }
0x33: {  	p0 =	seq.s32 s10, $0x1;
	s10 =	sld [smem:$0x3FB9];
	_ =	sdelay $0x3  }
0x34: {  	[smem:$0x3FB9] =	sst s10  }
0x35: {  	s10 =	sld [smem:$0x3FB8];
	_ =	sdelay $0x3  }
0x36: {  	p1 =	seq.s32 s10, $0x1;
	s10 =	sld [smem:$0x3FB9];
	_ =	sdelay $0x3  }
0x37: {  	[smem:$0x3FB9] =	sst s10  }
0x38: {  	s10 =	sld [smem:$0x3FBA]  }
0x39: {  	_ = 	snop;
	(pc) =	sbr.ind lr, $3  }
0x3a: {  	_ = 	snop  }
0x3b: {  	_ = 	snop  }
0x3c: {  	p2 =	seq.s32 s10, $0x1;
	s10 =	sld [smem:$0x3FB9]  }
0x3d: {  	_ =	shalt  }
0x3e: {  	_ =	shalt  }
0x3f: {  	_ =	shalt  }
0x40: {  	_ =	shalt  }
0x41: {  	_ =	shalt  }
0x42: {  	_ =	shalt  }
0x43: {  	_ =	shalt  }
0x44: {  	_ =	shalt  }
0x45: {  	_ =	shalt  }
0x46: {  	_ =	shalt  }
0x47: {  	_ =	shalt  }
0x48: {  	_ =	shalt  }
0x49: {  	_ =	shalt  }
0x4a: {  	_ =	shalt  }
0x4b: {  	_ =	shalt  }
0x4c: {  	_ =	shalt  }
0x4d: {  	_ =	shalt  }
0x4e: {  	_ =	shalt  }
0x4f: {  	_ =	shalt  }
0x50: {  	_ =	shalt  }
0x51: {  	_ =	shalt  }
0x52: {  	_ =	shalt  }
0x53: {  	_ =	shalt  }
0x54: {  	_ =	shalt  }
0x55: {  	_ =	shalt  }
0x56: {  	_ =	shalt  }
0x57: {  	_ =	shalt  }
0x58: {  	_ =	shalt  }
0x59: {  	_ =	shalt  }
0x5a: {  	_ =	shalt  }
0x5b: {  	_ =	shalt  }
0x5c: {  	_ =	shalt  }
0x5d: {  	_ =	shalt  }
0x5e: {  	_ =	shalt  }
0x5f: {  	_ =	shalt  }
0x60: {  	_ =	shalt  }
0x61: {  	_ =	shalt  }
0x62: {  	_ =	shalt  }
0x63: {  	_ =	shalt  }
0x64: {  	_ =	shalt  }
0x65: {  	_ =	shalt  }
0x66: {  	_ =	shalt  }
0x67: {  	_ =	shalt  }
0x68: {  	_ =	shalt  }
0x69: {  	_ =	shalt  }
0x6a: {  	_ =	shalt  }
0x6b: {  	_ =	shalt  }
0x6c: {  	_ =	shalt  }
0x6d: {  	_ =	shalt  }
0x6e: {  	_ =	shalt  }
0x6f: {  	_ =	shalt  }
0x70: {  	_ =	shalt  }
0x71: {  	_ =	shalt  }
0x72: {  	_ =	shalt  }
0x73: {  	_ =	shalt  }
0x74: {  	_ =	shalt  }
0x75: {  	_ =	shalt  }
0x76: {  	_ =	shalt  }
0x77: {  	_ =	shalt  }
0x78: {  	_ =	shalt  }
0x79: {  	_ =	shalt  }
0x7a: {  	_ =	shalt  }
0x7b: {  	_ =	shalt  }
0x7c: {  	_ =	shalt  }
0x7d: {  	_ =	shalt  }
0x7e: {  	_ =	shalt  }
0x7f: {  	_ =	shalt  }
0x80: {  	_ =	shalt  }
0x81: {  	_ =	shalt  }
0x82: {  	_ =	shalt  }
0x83: {  	_ =	shalt  }
0x84: {  	_ =	shalt  }
0x85: {  	_ =	shalt  }
0x86: {  	_ =	shalt  }
0x87: {  	_ =	shalt  }
.Lfunc_end0:
.L_simem_size_0:
called_computation_lowered:
.L_overlay_start_0:
0x88: {  	s2 =	sld [smem:$0x3FD9]  }
0x89: {  	s3 =	sld [smem:$0x3FFE];
	_ =	sdelay $0x1  }
0x8a: {  	s1 =	srdreg.scid  }
0x8b: {  	s0 =	sand.u32 $0x1, s1  }
0x8c: {  	s17 =	sshll.u32 s0, $0xA;
	s2 =	sadd.s32 s3, s2  }
0x8d: {  	s2 =	sadd.s32 s2, s17  }
0x8e: {  	[smem:$0x3FC5] =	sst s2  }
0x8f: {  	_ = 	snop  }
0x90: {  	s2 =	sld [smem:$0x3FC8]  }
0x91: {  	s18 =	sld [smem:$0x3FC7]  }
0x92: {  	s4 =	sld [smem:$0x3FD0];
	(tm) =	ssettm $0x1  }
0x93: {  	s5 =	sld [smem:$0x3FFB];
	_ =	sdelay $0x3  }
0x94: {  	_ =	strace s5  }
0x95: {  	s5 =	sld [smem:$0x3FFC];
	_ =	sdelay $0x3  }
0x96: {  	_ =	strace s5  }
0x97: {  	s5 =	sld [smem:$0x3FFD];
	_ =	sdelay $0x3  }
0x98: {  	_ =	strace s5  }
0x99: {  	_ =	strace $0x8FFFFFFF  }
0x9a: {  	s19 =	sld [smem:$0x3FDB];
	_ =	sdelay $0x1  }
0x9b: {  	s6 =	simm.s32 $_scs_section_size  }
0x9c: {  	s7 =	simm.s32 $_size__tile_overlayer_lowered;
	s8 =	simm.s32 $_tile_overlayer_lowered  }
0x9d: {  	s22 =	simm.s32 $0x1BFF;
	s21 =	sshll.u32 s8, $0x1;
	s5 =	sadd.s32 s6, s19  }
0x9e: {  	s9 =	simm.s32 $0x0;
	s20 =	sshll.u32 s7, $0x1;
	s7 =	sadd.s32 s21, s5  }
0x9f: {  	[timem:s9], [sflag:s22] =	dma.local [hbm:s7], s20  }
0xa0: {  	_ =	swait.ge [sflag:s22], s20  }
0xa1: {  	s6 =	ssub.s32 $0x0, s20;
	[sflag:s22] =	ssyncset.done $0x0  }
0xa2: {  	[sflag:s22] =	ssyncadd.s32 s6;
	_ =	sdelay $0x1  }
0xa3: {  	s23 =	simm.s32 $0x1B8B  }
0xa4: {  	_ =	swait.ge [sflag:s23], $0x1  }
0xa5: {  	[sflag:s23] =	ssyncset.done $0x0  }
0xa6: {  	s25 =	simm.s32 $0x1B8E;
	s24 =	sld [smem:$0x3FFE];
	[sflag:s23] =	ssyncadd.s32 $0xFFFFFFFF  }
0xa7: {  	s26 =	simm.s32 $execute0_lowered;
	[smem:$0x3FD2] =	sst s25  }
0xa8: {  	s7 =	sshll.u32 s26, $0x1;
	_ =	strace $0x80000046;
	[dreg:$0x1] =	wrdreg $0xFFFFFFFF  }
0xa9: {  	s28 =	simm.s32 $_size_execute0_lowered;
	s5 =	sadd.s32 s5, s7;
	[dreg:$0x0] =	wrdreg $0x0  }
0xaa: {  	s7 =	sshll.u32 s28, $0x1;
	[dreg:$0x2] =	wrdreg s5  }
0xab: {  	[dreg:$0x3] =	wrdreg s7  }
0xac: {  	[dreg:$0x4] =	wrdreg $0xC0  }
0xad: {  	_ =	task [dreg:s9], $0x5FFFF  }
0xae: {  	[dreg:$0x1] =	wrdreg $0xFFFFFFFF  }
0xaf: {  	[dreg:$0x0] =	wrdreg $0x60  }
0xb0: {  	[dreg:$0x2] =	wrdreg s24  }
0xb1: {  	[dreg:$0x3] =	wrdreg s2  }
0xb2: {  	[dreg:$0x4] =	wrdreg s18  }
0xb3: {  	[dreg:$0x5] =	wrdreg s4  }
0xb4: {  	[dreg:$0x6] =	wrdreg $0x0  }
0xb5: {  	[dreg:$0x7] =	wrdreg $0x9  }
0xb6: {  	_ =	task.clear_ibuf [dreg:s9], $0x8FFFF;
	_ =	strace $0x90000046  }
0xb7: {  	s29 =	simm.s32 $0x9;
	_ =	strace $0x80000048  }
0xb8: {  	_ =	swait.ge [sflag:s29], $0x1  }
0xb9: {  	[sflag:s29] =	ssyncadd.s32 $0xFFFFFFFF  }
0xba: {  	_ =	strace $0x90000048  }
0xbb: {  	_ =	sfence  }
0xbc: {  	s30 =	sld [smem:$0x0];
	_ =	sdelay $0x2  }
0xbd: {  	s31 =	sshll.u32 s1, $0xD;
	s1 =	sshrl.u32 s1, $0x2  }
0xbe: {  	s3 =	sand.u32 $0x4000, s31;
	s1 =	sadd.s32 s1, s30  }
0xbf: {  	s0 =	sor.u32 s3, s0;
	s1 =	sshll.u32 s1, $0x11  }
0xc0: {  	s0 =	sor.u32 s1, s0  }
0xc1: {  	s0 =	sadd.s32 $0x8F2B, s0  }
0xc2: {  	[sflag:s0] =	ssyncadd.remote.s32 $0x1  }
0xc3: {  	_ =	sfence.sel $0xFFFF  }
0xc4: {  	[dreg:$0x0] =	wrdreg $0xFFFFFFFF;
	(pc) =	sbr.abs _section_cstart, $3  }
0xc5: {  	[dreg:$0x1] =	wrdreg $0xFFFFFFFF  }
0xc6: {  	_ =	task.clear_ibuf [dreg:s9], $0x2FFFF;
	_ =	strace $0x9FFFFFFF  }
0xc7: {  	(tm) =	ssettm $0x7FFFFFFF  }
tec
execute0_lowered:
.L_overlay_start_1:
0x0: {  	(tag) =	ssettag $0x1  }
0x1: {  	s1 =	rddreg [dreg:$0x0]  }
0x2: {  	s0 =	rddreg [dreg:$0x1]  }
0x3: {  	s2 =	rddreg [dreg:$0x3];
	s4 =	srdreg.scid  }
0x4: {  	s5 =	stileid.u32;
	s19 =	rddreg [dreg:$0x4];
	s21 =	simm.s32 $0xA640  }
0x5: {  	s28 =	simm.s32 $0x10A40;
	s29 =	simm.s32 $0x3;
	s30 =	simm.s32 $0x6  }
0x6: {  	s13 =	simm.s32 $0xC;
	s14 =	simm.s32 $0x9;
	s18 =	simm.s32 $0xD  }
0x7: {  	s15 =	simm.s32 $0xE;
	s17 =	simm.s32 $0xF;
	s9 =	sand.u32 $0x1, s4  }
0x8: {  	s6 =	sshll.u32 s5, $0x1;
	s4 =	simm.s32 $0x0;
	s12 =	smul.u32 $0xC8000, s5  }
0x9: {  	s6 =	sor.u32 s9, s6;
	s8 =	ssub.s32 $0x2, s9;
	s9 =	smul.u32 $0x64000, s9  }
0xa: {  	s20 =	sadd.s32 $0x3C00, s19;
	p0 =	sne.s32 s5, $0x0;
	s7 =	smul.u32 $0x1400, s6  }
0xb: {  	s5 =	simm.s32 $0x7;
	[smem:$0x7FF] =	sst s4;
	s10 =	smul.u32 $0x64000, s6  }
0xc: {  	_ =	strace $0x80000047;
	s22 =	sshrl.u32 s8, $0x1;
	s23 =	smul.u32 $0x320000, s6  }
0xd: {  	s6 =	sadd.s32 $0x1400, s19;
	s11 =	ssub.s32 s8, s22;
	s8 =	sadd.s32 $0x5000, s19  }
0xe: {  	s22 =	simm.s32 $0x50;
	s1 =	sadd.s32 s7, s1;
	s3 =	sadd.s32 s2, s10  }
0xf: {  	s7 =	sadd.s32 $0x2800, s19;
	s31 =	smax.u32 s11, $0x1;
	[dreg:$0x7] =	wrdreg s3  }
0x10: {  	s11 =	simm.s32 $0x5;
	s1 =	sadd.s32 $0x400, s1;
	[dreg:$0xc] =	wrdreg s31  }
0x11: {  	s3 =	sadd.s32 $0x500, s3;
	[dreg:$0x6] =	wrdreg s1;
	s1 =	sshrl.u32 s23, $0x3  }
0x12: {  	[dreg:$0x8] =	wrdreg s3;
	s23 =	simm.s32 $0x1;
	s1 =	sadd.s32 s2, s1  }
0x13: {  	s2 =	sadd.s32 s12, s2;
	s12 =	simm.s32 $0x8;
	s24 =	sadd.s32 $0x63100, s1  }
0x14: {  	s25 =	sadd.s32 $0x63600, s1;
	s1 =	sadd.s32 $0x63B00, s1;
	[dreg:$0x9] =	wrdreg s24  }
0x15: {  	s26 =	sadd.s32 s9, s2;
	s9 =	simm.s32 $0xA;
	[dreg:$0xa] =	wrdreg s25  }
0x16: {  	[dreg:$0xb] =	wrdreg s1;
	s1 =	sadd.s32 $0xF00, s26;
	s24 =	simm.s32 $0xCE40  }
0x17: {  	s26 =	simm.s32 $0x2;
	[dreg:$0xd] =	wrdreg s1;
	s1 =	sshrl.u32 @!p0 s19, $0x3  }
0x18: {  	s25 =	simm.s32 $0x4;
	[dreg:$0xe] =	wrdreg s1;
	s1 =	simm.s32 $0x0  }
.LBB2_1:
0x19: {  	[dreg:$0xf] =	wrdreg s1  }
0x1a: {  	s3 =	rddreg [dreg:$0x2]  }
0x1b: {  	s16 =	simm.s32 @!p0 $0x1C10;
	s10 =	rddreg [dreg:$0xe]  }
0x1c: {  	[spmem:s10], [sflag:s16] =	dma.local @!p0 [hbm:s3], $0xC80  }
0x1d: {  	s16 =	simm.s32 @!p0 $0x10  }
0x1e: {  	_ =	swait.ge @!p0 [sflag:s16], $0xC80  }
0x1f: {  	[sflag:s16] =	ssyncset.done @!p0 $0x0  }
0x20: {  	[sflag:s16] =	ssyncadd.s32 @!p0 $0xFFFFF380  }
0x21: {  	[bflag:$0x0] =	sbarrier.arrive $0xFFFF  }
0x22: {  	s2 =	simm.s32 $0x640;
	s16 =	simm.s32 $0x10;
	s1 =	rddreg [dreg:$0x6]  }
0x23: {  	[tilespmem:s2], [sflag:$0x10] =	stream.linear.gather [hbm4b:s1+s4], $0xA000, $0x38;
	[tilespmem:$0x16E40] =	vst v63  }
0x24: {  	_ =	swait.ge [sflag:s16], $0xA000  }
0x25: {  	[sflag:s16] =	ssyncset.done $0x0  }
0x26: {  	[sflag:s16] =	ssyncadd.s32 $0xFFFF6000  }
0x27: {  	[tilespmem:s21], [sflag:$0x1] =	stream.linear.gather [spmem:s19], $0x2800, $0x38;
	[tilespmem:$0x16E40] =	vst v63  }
0x28: {  	_ =	swait.ge [sflag:s23], $0x2800  }
0x29: {  	[sflag:s23] =	ssyncset.done $0x0  }
0x2a: {  	[sflag:s23] =	ssyncadd.s32 $0xFFFFD800  }
0x2b: {  	[tilespmem:s21], [sflag:$0x6] =	stream.indirect.gather.add.f32 [hbm:s0], $0x80, s2, s22, $0xb8;
	[tilespmem:$0x16E40] =	vst v63  }
0x2c: {  	_ = 	snop  }
0x2d: {  	[tilespmem:s24], [sflag:$0x2] =	stream.linear.gather [spmem:s7], $0x2800, $0x38;
	[tilespmem:$0x16E40] =	vst v63  }
0x2e: {  	_ =	swait.ge [sflag:s26], $0x2800  }
0x2f: {  	[sflag:s26] =	ssyncset.done $0x0  }
0x30: {  	s2 =	simm.s32 $0x6C0;
	[sflag:s26] =	ssyncadd.s32 $0xFFFFD800  }
0x31: {  	[tilespmem:s24], [sflag:$0x7] =	stream.indirect.gather.add.f32 [hbm:s0], $0x80, s2, s22, $0xb8;
	[tilespmem:$0x16E40] =	vst v63  }
0x32: {  	s10 =	simm.s32 $0xF640  }
0x33: {  	[tilespmem:s10], [sflag:$0x3] =	stream.linear.gather [spmem:s8], $0x1400, $0x38;
	[tilespmem:$0x16E40] =	vst v63  }
0x34: {  	_ = 	snop  }
0x35: {  	[tilespmem:s28], [sflag:$0x3] =	stream.linear.gather [spmem:s19], $0x1400, $0x38;
	[tilespmem:$0x16E40] =	vst v63  }
0x36: {  	_ =	swait.ge [sflag:s29], $0x1400  }
0x37: {  	[sflag:s29] =	ssyncset.done $0x0  }
0x38: {  	[sflag:s29] =	ssyncadd.s32 $0xFFFFEC00  }
0x39: {  	_ =	swait.ge [sflag:s29], $0x1400  }
0x3a: {  	[sflag:s29] =	ssyncset.done $0x0  }
0x3b: {  	s31 =	simm.s32 $0x740;
	[sflag:s29] =	ssyncadd.s32 $0xFFFFEC00  }
0x3c: {  	[tilespmem:s10], [sflag:$0x8] =	stream.indirect.gather.add.f32 [hbm:s0], $0x80, s31, s22, $0xb8;
	[tilespmem:$0x16E40] =	vst v63  }
0x3d: {  	s2 =	simm.s32 $0x11E40  }
0x3e: {  	[tilespmem:s2], [sflag:$0x4] =	stream.linear.gather [spmem:s6], $0x2800, $0x38;
	[tilespmem:$0x16E40] =	vst v63  }
0x3f: {  	_ =	swait.ge [sflag:s30], $0x2800  }
0x40: {  	[sflag:s30] =	ssyncset.done $0x0  }
0x41: {  	s1 =	rddreg [dreg:$0x7];
	[sflag:s30] =	ssyncadd.s32 $0xFFFFD800  }
0x42: {  	[hbm4b:s1+s4] =	stream.linear.scatter [tilespmem:s21], [sflag:$0xB], $0x2800, $0x38;
	[tilespmem:$0x16E40] =	vst v63  }
0x43: {  	_ =	swait.ge [sflag:s25], $0x2800  }
0x44: {  	[sflag:s25] =	ssyncset.done $0x0  }
0x45: {  	s3 =	simm.s32 $0x7C0;
	[sflag:s25] =	ssyncadd.s32 $0xFFFFD800  }
0x46: {  	[tilespmem:s2], [sflag:$0x9] =	stream.indirect.gather.add.f32 [hbm:s0], $0x80, s3, s22, $0xb8;
	[tilespmem:$0x16E40] =	vst v63  }
0x47: {  	s1 =	simm.s32 $0x14640  }
0x48: {  	[tilespmem:s1], [sflag:$0x5] =	stream.linear.gather [spmem:s20], $0x2800, $0x38;
	[tilespmem:$0x16E40] =	vst v63  }
0x49: {  	_ =	swait.ge [sflag:s5], $0x2800  }
0x4a: {  	[sflag:s5] =	ssyncset.done $0x0  }
0x4b: {  	s16 =	rddreg [dreg:$0x8];
	[sflag:s5] =	ssyncadd.s32 $0xFFFFD800  }
0x4c: {  	[hbm4b:s16+s4] =	stream.linear.scatter [tilespmem:s24], [sflag:$0xC], $0x2800, $0x38;
	[tilespmem:$0x16E40] =	vst v63  }
0x4d: {  	_ =	swait.ge [sflag:s11], $0x2800  }
0x4e: {  	[sflag:s11] =	ssyncset.done $0x0  }
0x4f: {  	s31 =	simm.s32 $0x840;
	s16 =	simm.s32 $0xB;
	[sflag:s11] =	ssyncadd.s32 $0xFFFFD800  }
0x50: {  	[tilespmem:s1], [sflag:$0xA] =	stream.indirect.gather.add.f32 [hbm:s0], $0x80, s31, s22, $0xb8;
	[tilespmem:$0x16E40] =	vst v63  }
0x51: {  	_ =	swait.ge [sflag:s16], $0x2800  }
0x52: {  	[sflag:s16] =	ssyncset.done $0x0  }
0x53: {  	[sflag:s16] =	ssyncadd.s32 $0xFFFFD800  }
0x54: {  	[tilespmem:s21], [sflag:$0x1] =	stream.linear.gather [spmem:s19], $0x2800, $0x38;
	[tilespmem:$0x16E40] =	vst v63  }
0x55: {  	_ =	swait.ge [sflag:s12], $0x2800  }
0x56: {  	[sflag:s12] =	ssyncset.done $0x0;
	s3 =	rddreg [dreg:$0xd]  }
0x57: {  	[sflag:s12] =	ssyncadd.s32 $0xFFFFD800;
	s31 =	sadd.s32 $0xFFFFFB00, s3  }
0x58: {  	[hbm4b:s31+s4] =	stream.linear.scatter [tilespmem:s10], [sflag:$0xD], $0x2800, $0x38;
	[tilespmem:$0x16E40] =	vst v63  }
0x59: {  	_ =	swait.ge [sflag:s23], $0x2800  }
0x5a: {  	[sflag:s23] =	ssyncset.done $0x0  }
0x5b: {  	s31 =	simm.s32 $0x8C0;
	[sflag:s23] =	ssyncadd.s32 $0xFFFFD800  }
0x5c: {  	[tilespmem:s21], [sflag:$0x6] =	stream.indirect.gather.add.f32 [hbm:s0], $0x80, s31, s22, $0xb8;
	[tilespmem:$0x16E40] =	vst v63  }
0x5d: {  	_ =	swait.ge [sflag:s13], $0x2800  }
0x5e: {  	[sflag:s13] =	ssyncset.done $0x0  }
0x5f: {  	[sflag:s13] =	ssyncadd.s32 $0xFFFFD800  }
0x60: {  	[tilespmem:s24], [sflag:$0x2] =	stream.linear.gather [spmem:s7], $0x2800, $0x38;
	[tilespmem:$0x16E40] =	vst v63  }
0x61: {  	_ =	swait.ge [sflag:s14], $0x2800  }
0x62: {  	[sflag:s14] =	ssyncset.done $0x0  }
0x63: {  	[sflag:s14] =	ssyncadd.s32 $0xFFFFD800  }
0x64: {  	[hbm4b:s3+s4] =	stream.linear.scatter [tilespmem:s2], [sflag:$0xE], $0x2800, $0x38;
	[tilespmem:$0x16E40] =	vst v63  }
0x65: {  	_ =	swait.ge [sflag:s26], $0x2800  }
0x66: {  	[sflag:s26] =	ssyncset.done $0x0  }
0x67: {  	s23 =	simm.s32 $0x940;
	[sflag:s26] =	ssyncadd.s32 $0xFFFFD800  }
0x68: {  	[tilespmem:s24], [sflag:$0x7] =	stream.indirect.gather.add.f32 [hbm:s0], $0x80, s23, s22, $0xb8;
	[tilespmem:$0x16E40] =	vst v63  }
0x69: {  	_ =	swait.ge [sflag:s18], $0x2800  }
0x6a: {  	[sflag:s18] =	ssyncset.done $0x0  }
0x6b: {  	[sflag:s18] =	ssyncadd.s32 $0xFFFFD800  }
0x6c: {  	[tilespmem:s10], [sflag:$0x3] =	stream.linear.gather [spmem:s8], $0x1400, $0x38;
	[tilespmem:$0x16E40] =	vst v63  }
0x6d: {  	_ = 	snop  }
0x6e: {  	[tilespmem:s28], [sflag:$0x3] =	stream.linear.gather [spmem:s19], $0x1400, $0x38;
	[tilespmem:$0x16E40] =	vst v63  }
0x6f: {  	_ =	swait.ge [sflag:s9], $0x2800  }
0x70: {  	[sflag:s9] =	ssyncset.done $0x0  }
0x71: {  	s26 =	sadd.s32 $0x500, s3;
	[sflag:s9] =	ssyncadd.s32 $0xFFFFD800  }
0x72: {  	[hbm4b:s26+s4] =	stream.linear.scatter [tilespmem:s1], [sflag:$0xF], $0x2800, $0x38;
	[tilespmem:$0x16E40] =	vst v63  }
0x73: {  	_ =	swait.ge [sflag:s29], $0x1400  }
0x74: {  	[sflag:s29] =	ssyncset.done $0x0  }
0x75: {  	[sflag:s29] =	ssyncadd.s32 $0xFFFFEC00  }
0x76: {  	_ =	swait.ge [sflag:s29], $0x1400  }
0x77: {  	[sflag:s29] =	ssyncset.done $0x0  }
0x78: {  	s31 =	simm.s32 $0x9C0;
	[sflag:s29] =	ssyncadd.s32 $0xFFFFEC00  }
0x79: {  	[tilespmem:s10], [sflag:$0x8] =	stream.indirect.gather.add.f32 [hbm:s0], $0x80, s31, s22, $0xb8;
	[tilespmem:$0x16E40] =	vst v63  }
0x7a: {  	_ =	swait.ge [sflag:s15], $0x2800  }
0x7b: {  	[sflag:s15] =	ssyncset.done $0x0  }
0x7c: {  	[sflag:s15] =	ssyncadd.s32 $0xFFFFD800  }
0x7d: {  	[tilespmem:s2], [sflag:$0x4] =	stream.linear.gather [spmem:s6], $0x2800, $0x38;
	[tilespmem:$0x16E40] =	vst v63  }
0x7e: {  	_ =	swait.ge [sflag:s30], $0x2800  }
0x7f: {  	[sflag:s30] =	ssyncset.done $0x0  }
0x80: {  	s23 =	sadd.s32 $0xA00, s3;
	[sflag:s30] =	ssyncadd.s32 $0xFFFFD800  }
0x81: {  	[hbm4b:s23+s4] =	stream.linear.scatter [tilespmem:s21], [sflag:$0xB], $0x2800, $0x38;
	[tilespmem:$0x16E40] =	vst v63  }
0x82: {  	_ =	swait.ge [sflag:s25], $0x2800  }
0x83: {  	[sflag:s25] =	ssyncset.done $0x0  }
0x84: {  	s26 =	simm.s32 $0xA40;
	[sflag:s25] =	ssyncadd.s32 $0xFFFFD800  }
0x85: {  	[tilespmem:s2], [sflag:$0x9] =	stream.indirect.gather.add.f32 [hbm:s0], $0x80, s26, s22, $0xb8;
	[tilespmem:$0x16E40] =	vst v63  }
0x86: {  	_ =	swait.ge [sflag:s17], $0x2800  }
0x87: {  	[sflag:s17] =	ssyncset.done $0x0  }
0x88: {  	s16 =	simm.s32 $0xA00;
	[sflag:s17] =	ssyncadd.s32 $0xFFFFD800  }
0x89: {  	[tilespmem:s1], [sflag:$0x5] =	stream.linear.gather [spmem:s20], $0x2800, $0x38;
	[tilespmem:$0x16E40] =	vst v63  }
0x8a: {  	s28 =	simm.s32 $0xAC0;
	s31 =	sadd.s32 $0xF00, s3;
	_ =	swait.ge [sflag:s5], $0x2800  }
0x8b: {  	s10 =	smov.u32 s6;
	s6 =	smov.u32 s19;
	[sflag:s5] =	ssyncset.done $0x0  }
0x8c: {  	s19 =	sadd.s32 $0x1900, s3;
	s30 =	simm.s32 $0x6;
	[sflag:s5] =	ssyncadd.s32 $0xFFFFD800  }
0x8d: {  	[hbm4b:s31+s4] =	stream.linear.scatter [tilespmem:s24], [sflag:$0xC], $0x2800, $0x38;
	[tilespmem:$0x16E40] =	vst v63  }
0x8e: {  	s21 =	simm.s32 $0xA640;
	s23 =	simm.s32 $0x1;
	_ =	swait.ge [sflag:s11], $0x2800  }
0x8f: {  	s25 =	simm.s32 $0x4;
	s26 =	simm.s32 $0x2;
	[sflag:s11] =	ssyncset.done $0x0  }
0x90: {  	s24 =	simm.s32 $0xCE40;
	[sflag:s11] =	ssyncadd.s32 $0xFFFFD800;
	s11 =	simm.s32 $0x5  }
.LBB2_2:
0x91: {  	s5 =	simm.s32 $0x14640  }
0x92: {  	[tilespmem:s5], [sflag:$0xA] =	stream.indirect.gather.add.f32 [hbm:s0], $0x80, s28, s22, $0xb8;
	[tilespmem:$0x16E40] =	vst v63  }
0x93: {  	s1 =	simm.s32 $0xB;
	s28 =	smov.u32 s16  }
0x94: {  	p1 =	sne.s32 s16, $0x26C00;
	s16 =	sadd.s32 $0xA00, s16;
	_ =	swait.ge [sflag:s1], $0x2800  }
0x95: {  	[sflag:s1] =	ssyncset.done $0x0  }
0x96: {  	[sflag:s1] =	ssyncadd.s32 $0xFFFFD800  }
0x97: {  	[tilespmem:s21], [sflag:$0x1] =	stream.linear.gather [spmem:s6], $0x2800, $0x38;
	[tilespmem:$0x16E40] =	vst v63  }
0x98: {  	_ =	swait.ge [sflag:s12], $0x2800  }
0x99: {  	[sflag:s12] =	ssyncset.done $0x0  }
0x9a: {  	s3 =	sadd.s32 $0xFFFFFB00, s19;
	s31 =	simm.s32 $0xF640;
	[sflag:s12] =	ssyncadd.s32 $0xFFFFD800  }
0x9b: {  	[hbm4b:s3+s4] =	stream.linear.scatter [tilespmem:s31], [sflag:$0xD], $0x2800, $0x38;
	[tilespmem:$0x16E40] =	vst v63  }
0x9c: {  	_ =	swait.ge [sflag:s23], $0x2800  }
0x9d: {  	s28 =	sshra.s32 s28, $0x2;
	[sflag:s23] =	ssyncset.done $0x0  }
0x9e: {  	s3 =	sadd.s32 $0x8C0, s28;
	[sflag:s23] =	ssyncadd.s32 $0xFFFFD800  }
0x9f: {  	[tilespmem:s21], [sflag:$0x6] =	stream.indirect.gather.add.f32 [hbm:s0], $0x80, s3, s22, $0xb8;
	[tilespmem:$0x16E40] =	vst v63  }
0xa0: {  	_ =	swait.ge [sflag:s13], $0x2800  }
0xa1: {  	[sflag:s13] =	ssyncset.done $0x0  }
0xa2: {  	[sflag:s13] =	ssyncadd.s32 $0xFFFFD800  }
0xa3: {  	[tilespmem:s24], [sflag:$0x2] =	stream.linear.gather [spmem:s7], $0x2800, $0x38;
	[tilespmem:$0x16E40] =	vst v63  }
0xa4: {  	_ =	swait.ge [sflag:s14], $0x2800  }
0xa5: {  	[sflag:s14] =	ssyncset.done $0x0  }
0xa6: {  	s1 =	simm.s32 $0x11E40;
	[sflag:s14] =	ssyncadd.s32 $0xFFFFD800  }
0xa7: {  	[hbm4b:s19+s4] =	stream.linear.scatter [tilespmem:s1], [sflag:$0xE], $0x2800, $0x38;
	[tilespmem:$0x16E40] =	vst v63  }
0xa8: {  	_ =	swait.ge [sflag:s26], $0x2800  }
0xa9: {  	[sflag:s26] =	ssyncset.done $0x0  }
0xaa: {  	s3 =	sadd.s32 $0x940, s28;
	[sflag:s26] =	ssyncadd.s32 $0xFFFFD800  }
0xab: {  	[tilespmem:s24], [sflag:$0x7] =	stream.indirect.gather.add.f32 [hbm:s0], $0x80, s3, s22, $0xb8;
	[tilespmem:$0x16E40] =	vst v63  }
0xac: {  	_ =	swait.ge [sflag:s18], $0x2800  }
0xad: {  	[sflag:s18] =	ssyncset.done $0x0  }
0xae: {  	[sflag:s18] =	ssyncadd.s32 $0xFFFFD800  }
0xaf: {  	[tilespmem:s31], [sflag:$0x3] =	stream.linear.gather [spmem:s8], $0x1400, $0x38;
	[tilespmem:$0x16E40] =	vst v63  }
0xb0: {  	s2 =	simm.s32 $0x10A40  }
0xb1: {  	[tilespmem:s2], [sflag:$0x3] =	stream.linear.gather [spmem:s6], $0x1400, $0x38;
	[tilespmem:$0x16E40] =	vst v63  }
0xb2: {  	_ =	swait.ge [sflag:s9], $0x2800  }
0xb3: {  	[sflag:s9] =	ssyncset.done $0x0  }
0xb4: {  	s3 =	sadd.s32 $0x500, s19;
	[sflag:s9] =	ssyncadd.s32 $0xFFFFD800  }
0xb5: {  	[hbm4b:s3+s4] =	stream.linear.scatter [tilespmem:s5], [sflag:$0xF], $0x2800, $0x38;
	[tilespmem:$0x16E40] =	vst v63  }
0xb6: {  	_ =	swait.ge [sflag:s29], $0x1400  }
0xb7: {  	[sflag:s29] =	ssyncset.done $0x0  }
0xb8: {  	[sflag:s29] =	ssyncadd.s32 $0xFFFFEC00  }
0xb9: {  	_ =	swait.ge [sflag:s29], $0x1400  }
0xba: {  	[sflag:s29] =	ssyncset.done $0x0  }
0xbb: {  	s2 =	simm.s32 $0xF640;
	s3 =	sadd.s32 $0x9C0, s28;
	[sflag:s29] =	ssyncadd.s32 $0xFFFFEC00  }
0xbc: {  	[tilespmem:s31], [sflag:$0x8] =	stream.indirect.gather.add.f32 [hbm:s0], $0x80, s3, s22, $0xb8;
	[tilespmem:$0x16E40] =	vst v63  }
0xbd: {  	_ =	swait.ge [sflag:s15], $0x2800  }
0xbe: {  	[sflag:s15] =	ssyncset.done $0x0  }
0xbf: {  	[sflag:s15] =	ssyncadd.s32 $0xFFFFD800  }
0xc0: {  	[tilespmem:s1], [sflag:$0x4] =	stream.linear.gather [spmem:s10], $0x2800, $0x38;
	[tilespmem:$0x16E40] =	vst v63  }
0xc1: {  	_ =	swait.ge [sflag:s30], $0x2800  }
0xc2: {  	[sflag:s30] =	ssyncset.done $0x0  }
0xc3: {  	s3 =	sadd.s32 $0xA00, s19;
	[sflag:s30] =	ssyncadd.s32 $0xFFFFD800  }
0xc4: {  	[hbm4b:s3+s4] =	stream.linear.scatter [tilespmem:s21], [sflag:$0xB], $0x2800, $0x38;
	[tilespmem:$0x16E40] =	vst v63  }
0xc5: {  	_ =	swait.ge [sflag:s25], $0x2800  }
0xc6: {  	[sflag:s25] =	ssyncset.done $0x0  }
0xc7: {  	s31 =	simm.s32 $0x11E40;
	s3 =	sadd.s32 $0xA40, s28;
	[sflag:s25] =	ssyncadd.s32 $0xFFFFD800  }
0xc8: {  	[tilespmem:s1], [sflag:$0x9] =	stream.indirect.gather.add.f32 [hbm:s0], $0x80, s3, s22, $0xb8;
	[tilespmem:$0x16E40] =	vst v63  }
0xc9: {  	_ =	swait.ge [sflag:s17], $0x2800  }
0xca: {  	[sflag:s17] =	ssyncset.done $0x0  }
0xcb: {  	[sflag:s17] =	ssyncadd.s32 $0xFFFFD800  }
0xcc: {  	[tilespmem:s5], [sflag:$0x5] =	stream.linear.gather [spmem:s20], $0x2800, $0x38;
	[tilespmem:$0x16E40] =	vst v63  }
0xcd: {  	s5 =	simm.s32 $0x7  }
0xce: {  	_ =	swait.ge [sflag:s5], $0x2800  }
0xcf: {  	[sflag:s5] =	ssyncset.done $0x0  }
.Ltmp0:
0xd0: {  	s3 =	sadd.s32 $0xF00, s19;
	[sflag:s5] =	ssyncadd.s32 $0xFFFFD800;
	(pc) =	sbr.rel @p1 .LBB2_2-.Ltmp0, $4  }
0xd1: {  	[hbm4b:s3+s4] =	stream.linear.scatter [tilespmem:s24], [sflag:$0xC], $0x2800, $0x38;
	[tilespmem:$0x16E40] =	vst v63  }
0xd2: {  	_ =	swait.ge [sflag:s11], $0x2800  }
0xd3: {  	[sflag:s11] =	ssyncset.done $0x0  }
0xd4: {  	s28 =	sadd.s32 $0xAC0, s28;
	s19 =	sadd.s32 $0x1900, s19;
	[sflag:s11] =	ssyncadd.s32 $0xFFFFD800  }
0xd5: {  	s1 =	simm.s32 $0x14640  }
0xd6: {  	[tilespmem:s1], [sflag:$0xA] =	stream.indirect.gather.add.f32 [hbm:s0], $0x80, s28, s22, $0xb8;
	[tilespmem:$0x16E40] =	vst v63  }
0xd7: {  	_ =	swait.ge [sflag:s12], $0x2800  }
0xd8: {  	[sflag:s12] =	ssyncset.done $0x0  }
0xd9: {  	s3 =	rddreg [dreg:$0x9];
	[sflag:s12] =	ssyncadd.s32 $0xFFFFD800  }
0xda: {  	[hbm4b:s3+s4] =	stream.linear.scatter [tilespmem:s2], [sflag:$0xD], $0x2800, $0x38;
	[tilespmem:$0x16E40] =	vst v63  }
0xdb: {  	_ =	swait.ge [sflag:s14], $0x2800  }
0xdc: {  	[sflag:s14] =	ssyncset.done $0x0  }
0xdd: {  	s23 =	rddreg [dreg:$0xa];
	[sflag:s14] =	ssyncadd.s32 $0xFFFFD800  }
0xde: {  	[hbm4b:s23+s4] =	stream.linear.scatter [tilespmem:s31], [sflag:$0xE], $0x2800, $0x38;
	[tilespmem:$0x16E40] =	vst v63  }
0xdf: {  	_ =	swait.ge [sflag:s9], $0x2800  }
0xe0: {  	[sflag:s9] =	ssyncset.done $0x0  }
0xe1: {  	s25 =	simm.s32 $0xB;
	s24 =	rddreg [dreg:$0xb];
	[sflag:s9] =	ssyncadd.s32 $0xFFFFD800  }
0xe2: {  	[hbm4b:s24+s4] =	stream.linear.scatter [tilespmem:s1], [sflag:$0xF], $0x2800, $0x38;
	[tilespmem:$0x16E40] =	vst v63  }
0xe3: {  	_ =	swait.ge [sflag:s25], $0x2800  }
0xe4: {  	[sflag:s25] =	ssyncset.done $0x0  }
0xe5: {  	[sflag:s25] =	ssyncadd.s32 $0xFFFFD800  }
0xe6: {  	_ =	swait.ge [sflag:s13], $0x2800  }
0xe7: {  	[sflag:s13] =	ssyncset.done $0x0  }
0xe8: {  	[sflag:s13] =	ssyncadd.s32 $0xFFFFD800  }
0xe9: {  	_ =	swait.ge [sflag:s18], $0x2800  }
0xea: {  	[sflag:s18] =	ssyncset.done $0x0  }
0xeb: {  	[sflag:s18] =	ssyncadd.s32 $0xFFFFD800  }
0xec: {  	_ =	swait.ge [sflag:s15], $0x2800  }
0xed: {  	[sflag:s15] =	ssyncset.done $0x0  }
0xee: {  	[sflag:s15] =	ssyncadd.s32 $0xFFFFD800  }
0xef: {  	_ =	swait.ge [sflag:s17], $0x2800  }
0xf0: {  	s26 =	rddreg [dreg:$0xf]  }
0xf1: {  	s31 =	rddreg [dreg:$0xc];
	s1 =	sadd.s32 $0x1, s26  }
0xf2: {  	p1 =	sne.s32 s1, s31  }
.Ltmp1:
0xf3: {  	_ = 	snop;
	(pc) =	sbr.rel @p1 .LBB2_1-.Ltmp1, $4  }
0xf4: {  	s19 =	smov.u32 s6;
	s6 =	smov.u32 s10;
	s21 =	simm.s32 $0xA640  }
0xf5: {  	s30 =	simm.s32 $0x6;
	s11 =	simm.s32 $0x5;
	s28 =	simm.s32 $0x10A40  }
0xf6: {  	s23 =	simm.s32 $0x1;
	s24 =	simm.s32 $0xCE40;
	[sflag:s17] =	ssyncset.done $0x0  }
0xf7: {  	s25 =	simm.s32 $0x4;
	[sflag:s17] =	ssyncadd.s32 $0xFFFFD800;
	s26 =	simm.s32 $0x2  }
0xf8: {  	_ =	sfence.sel $0x180000  }
0xf9: {  	[bflag:$0x0] =	sbarrier.arrive $0xFFFF  }
0xfa: {  	_ =	strace $0x90000047  }
0xfb: {  	[bflag:$0x2] =	sbarrier.arrive $0xFFFF  }
0xfc: {  	s0 =	rddreg [dreg:$0x5]  }
0xfd: {  	s0 =	sadd.s32 @!p0 $0x100000, s0  }
0xfe: {  	[sflag:s0] =	ssyncadd.tile.s32 @!p0 $0x1;
	_ =	shalt  }
.Lfunc_end2:
_tile_overlayer_lowered:
.L_overlay_start_2:
0xff: {  	(tag) =	ssettag $0x2  }
0x100: {  	s0 =	rddreg [dreg:$0x0];
	s2 =	stileid.u32  }
0x101: {  	s1 =	rddreg [dreg:$0x1];
	p0 =	sne.s32 s2, $0x0  }
0x102: {  	s3 =	rddreg [dreg:$0x2];
	[bflag:$0x3] =	sbarrier.arrive $0xFFFF;
	s2 =	simm.s32 @!p0 $0x1C10  }
0x103: {  	[timem:s3], [sflag:s2] =	dma.local @!p0 [hbm:s0], s1  }
0x104: {  	s0 =	simm.s32 @!p0 $0x10  }
0x105: {  	_ =	swait.ge @!p0 [sflag:s0], s1  }
0x106: {  	s1 =	ssub.s32 @!p0 $0x0, s1;
	[sflag:s0] =	ssyncset.done @!p0 $0x0  }
0x107: {  	[sflag:s0] =	ssyncadd.s32 @!p0 s1  }
0x108: {  	[bflag:$0x3] =	sbarrier.arrive $0xFFFF  }
0x109: {  	_ =	shalt  }

</sc_bundles>
